<compile_context>
chip_gen: v7x
topology: tpu7x:2x2x1
jax: 0.10.2.dev20260603
libtpu: 0.0.44.dev20260713+nightly
codegen_flags: <defaults>
</compile_context>

<pallas_src>
import jax
import jax.numpy as jnp
from jax import lax
from jax.experimental import pallas as pl
from jax.experimental.pallas import tpu as pltpu
from jax.experimental.pallas import tpu_sc as plsc

_SUP = 300
_EPS = 0.001
_ROW = 2 * _SUP + 1
_N = 65536

_NC = 2
_NS = 16
_NW = _NC * _NS
_EPW = _N // _NW
_C = 24
_NCHUNK = _ROW // _C
_NVREG = _EPW // 16


def _prep_kernel(x_ref, s_ref, p_ref, a_ref):
    x = x_ref[:]
    enc = jnp.sign(x) * (jnp.sqrt(jnp.abs(x) + 1.0) - 1.0) + _EPS * x
    enc = jnp.clip(enc, -float(_SUP), float(_SUP))
    fl = jnp.floor(enc)
    rem = enc - fl
    fli = fl.astype(jnp.int32)
    top = fli >= _SUP
    s_ref[:] = enc
    p_ref[:] = jnp.where(top, 2 * _SUP - 1, fli + _SUP)
    a_ref[:] = jnp.where(top, 0.0, 1.0 - rem)


def _sc_expand(p_hbm, a_hbm, out_hbm, p_v, a_v, bufs, insem, outsem):
    wid = lax.axis_index("s") * _NC + lax.axis_index("c")
    base = wid * _EPW
    pltpu.async_copy(p_hbm.at[pl.ds(base, _EPW)], p_v, insem)
    pltpu.async_copy(a_hbm.at[pl.ds(base, _EPW)], a_v, insem)

    zeros16 = jnp.zeros((16,), jnp.float32)
    lane = lax.iota(jnp.int32, 16)

    def _zero_row(r, _):
        def _zero_chunk(c, _):
            for b in range(2):
                for cc in range(8):
                    bufs[b][r, pl.ds((c * 8 + cc) * 16, 16)] = zeros16
            return 0

        return lax.fori_loop(0, _EPW // 128, _zero_chunk, 0)

    lax.fori_loop(0, _C, _zero_row, 0)
    pltpu.make_async_copy(a_hbm.at[pl.ds(base, _EPW)], a_v, insem).wait()
    pltpu.make_async_copy(p_hbm.at[pl.ds(base, _EPW)], p_v, insem).wait()

    def _sweep(slot, c0, c0_old):
        buf = bufs[slot]

        cu = jnp.uint32(_C)

        def body(jo, _):
            for jj in range(4):
                j = jo * 4 + jj
                col = lane + j * 16
                p16 = p_v[pl.ds(j * 16, 16)]
                q16 = p16 + 1
                ro_a = p16 - c0_old
                ro_b = q16 - c0_old
                m_oa = ro_a.astype(jnp.uint32) < cu
                m_ob = ro_b.astype(jnp.uint32) < cu
                plsc.store_scatter(buf, [ro_a, col], zeros16, mask=m_oa)
                plsc.store_scatter(buf, [ro_b, col], zeros16, mask=m_ob)
                r_a = p16 - c0
                r_b = q16 - c0
                m_a = r_a.astype(jnp.uint32) < cu
                m_b = r_b.astype(jnp.uint32) < cu
                a16 = a_v[pl.ds(j * 16, 16)]
                plsc.store_scatter(buf, [r_a, col], a16, mask=m_a)
                plsc.store_scatter(buf, [r_b, col], 1.0 - a16, mask=m_b)
            return 0

        lax.fori_loop(0, _NVREG // 4, body, 0)

    def _start_dma(slot, c0):
        pltpu.make_async_copy(
            bufs[slot], out_hbm.at[pl.ds(c0, _C), pl.ds(base, _EPW)], outsem
        ).start()

    def _wait_dma():
        pltpu.make_async_copy(
            bufs[0], out_hbm.at[pl.ds(0, _C), pl.ds(base, _EPW)], outsem
        ).wait()

    far = jnp.int32(-1 << 20)

    _sweep(0, jnp.int32(0), far)
    _start_dma(0, jnp.int32(0))
    _sweep(1, jnp.int32(_C), far)
    _start_dma(1, jnp.int32(_C))

    def _main(o, _):
        for s in range(2):
            k = 2 + o * 2 + s
            c0 = k * _C
            _wait_dma()
            _sweep(s, c0, c0 - 2 * _C)
            _start_dma(s, c0)
        return 0

    lax.fori_loop(0, (_NCHUNK - 2) // 2, _main, 0)
    k_last = _NCHUNK - 1
    _wait_dma()
    _sweep(0, jnp.int32(k_last * _C), jnp.int32((k_last - 2) * _C))
    _start_dma(0, jnp.int32(k_last * _C))

    _wait_dma()

    def _last_body(j, _):
        col = lane + j * 16
        p16 = p_v[pl.ds(j * 16, 16)]
        q16 = p16 + 1
        c0_old = jnp.int32((k_last - 1) * _C)
        m_oa = (p16 >= c0_old) & (p16 < c0_old + _C)
        m_ob = (q16 >= c0_old) & (q16 < c0_old + _C)
        plsc.store_scatter(bufs[1], [p16 - c0_old, col], zeros16, mask=m_oa)
        plsc.store_scatter(bufs[1], [q16 - c0_old, col], zeros16, mask=m_ob)
        m_b = q16 == 2 * _SUP
        plsc.store_scatter(
            bufs[1], [q16 - 2 * _SUP, col], 1.0 - a_v[pl.ds(j * 16, 16)], mask=m_b
        )
        return 0

    lax.fori_loop(0, _NVREG, _last_body, 0)
    pltpu.make_async_copy(
        bufs[1].at[pl.ds(0, 1)], out_hbm.at[pl.ds(2 * _SUP, 1), pl.ds(base, _EPW)],
        outsem,
    ).start()

    _wait_dma()
    pltpu.make_async_copy(
        bufs[1].at[pl.ds(0, 1)], out_hbm.at[pl.ds(2 * _SUP, 1), pl.ds(base, _EPW)],
        outsem,
    ).wait()


@jax.jit
def kernel(x):
    n = x.shape[0]
    x2 = x.reshape(512, 128)
    enc_s, p, a = pl.pallas_call(
        _prep_kernel,
        out_shape=[
            jax.ShapeDtypeStruct((512, 128), jnp.float32),
            jax.ShapeDtypeStruct((512, 128), jnp.int32),
            jax.ShapeDtypeStruct((512, 128), jnp.float32),
        ],
    )(x2)

    sc = pl.kernel(
        _sc_expand,
        out_type=jax.ShapeDtypeStruct((_ROW, n), jnp.float32),
        mesh=plsc.VectorSubcoreMesh(core_axis_name="c", subcore_axis_name="s"),
        scratch_types=[
            pltpu.VMEM((_EPW,), jnp.int32),
            pltpu.VMEM((_EPW,), jnp.float32),
            [pltpu.VMEM((_C, _EPW), jnp.float32) for _ in range(2)],
            pltpu.SemaphoreType.DMA,
            pltpu.SemaphoreType.DMA,
        ],
        compiler_params=pltpu.CompilerParams(needs_layout_passes=False),
    )
    enc_v_t = sc(p.reshape(n), a.reshape(n))
    return (enc_s.reshape(n), jnp.transpose(enc_v_t))

# --- scband reference (transcript-rebuilt; emitter-appended) ---
"""Pipeline reference for scband-reward-tran-12463995093907 (READ-ONLY COPY).

The authoritative reference and input builder live on the scoring server;
editing this copy changes nothing except your own understanding.
"""

import jax, jax.numpy as jnp
import numpy as np

SUPPORT = 300
EPS = 0.001


def setup_inputs(seed: int = 0) -> dict:
    key = jax.random.key(seed)
    # scale so rewards span many of the 601 bins after the sqrt transform
    x = jax.random.normal(key, (65536,), dtype=jnp.float32) * 100.0
    return {"x": x}


def reference(x):
    sup = SUPPORT
    eps = EPS
    n = 2 * sup + 1
    # MuZero invertible value transform
    enc_s = jnp.sign(x) * (jnp.sqrt(jnp.abs(x) + 1.0) - 1.0) + eps * x
    enc_s = jnp.clip(enc_s, -float(sup), float(sup))
    enc_s_floor = jnp.floor(enc_s)
    rem = enc_s - enc_s_floor
    fli = enc_s_floor.astype(jnp.int32)
    # torch: scatter_(-1, clamp_max(sup + floor + 1, 2*sup), rem)
    idx1 = jnp.minimum(sup + fli + 1, 2 * sup)
    # torch: scatter_(-1, sup + floor, 1 - rem)  (overwrites, applied second)
    idx2 = sup + fli
    N = x.shape[0]
    base = jnp.arange(N, dtype=jnp.int32) * n
    flat = jnp.zeros((N * n,), dtype=jnp.float32)
    flat = flat.at[base + idx1].set(rem)
    flat = flat.at[base + idx2].set(1.0 - rem)  # second scatter overwrites on collision, matching torch order
    enc_v = flat.reshape(x.shape + (n,))
    return (enc_s, enc_v)

if __name__ == "__main__":
    import jax
    _d = setup_inputs()
    print(jax.jit(kernel)(*tuple(_d.values())))

</pallas_src>

<mosaic_0001>
#map = affine_map<(d0, d1) -> (0)>
#map1 = affine_map<(d0, d1) -> (0, 0)>
module attributes {stable_mosaic.version = 14 : i64} {
  func.func @_sc_expand(%arg0: i32, %arg1: i32, %arg2: memref<65536xi32, #tpu.memory_space<hbm>>, %arg3: memref<65536xf32, #tpu.memory_space<hbm>>, %arg4: memref<601x65536xf32, #tpu.memory_space<hbm>>, %arg5: memref<2048xi32, #tpu.memory_space<vmem>>, %arg6: memref<2048xf32, #tpu.memory_space<vmem>>, %arg7: memref<24x2048xf32, #tpu.memory_space<vmem>>, %arg8: memref<24x2048xf32, #tpu.memory_space<vmem>>, %arg9: memref<!tpu.dma_semaphore, #tpu.memory_space<semaphore_mem>>, %arg10: memref<!tpu.dma_semaphore, #tpu.memory_space<semaphore_mem>>) attributes {dimension_semantics = [#tpu.dimension_semantics<core_parallel>, #tpu.dimension_semantics<subcore_parallel>], iteration_bounds = array<i64: 2, 16>, scalar_prefetch = 0 : i64, scratch_operands = 6 : i64, tpu.core_type = #tpu.core_type<sc_vector_subcore>, window_params = [{transform_indices = #map}, {transform_indices = #map}, {transform_indices = #map1}]} {
    %mul3A = arith.constant 2 : i32
    %mul3A_0 = arith.muli %arg1, %mul3A : i32
    %add3A = arith.addi %mul3A_0, %arg0 : i32
    %mul3A_1 = arith.constant 2048 : i32
    %mul3A_2 = arith.muli %add3A, %mul3A_1 : i32
    %dma_start3A = tpu.memref_slice %arg2[%mul3A_2] : memref<65536xi32, #tpu.memory_space<hbm>> -> memref<2048xi32, #tpu.memory_space<hbm>>
    %dma_start3A_3 = tpu.memref_slice %arg2[%mul3A_2] : memref<65536xi32, #tpu.memory_space<hbm>> -> memref<2048xi32, #tpu.memory_space<hbm>>
    tpu.enqueue_dma source(%dma_start3A_3 : memref<2048xi32, #tpu.memory_space<hbm>>) target(%arg5 : memref<2048xi32, #tpu.memory_space<vmem>>) target_semaphore(%arg9 : memref<!tpu.dma_semaphore, #tpu.memory_space<semaphore_mem>>)
    %dma_start3A_4 = tpu.memref_slice %arg3[%mul3A_2] : memref<65536xf32, #tpu.memory_space<hbm>> -> memref<2048xf32, #tpu.memory_space<hbm>>
    %dma_start3A_5 = tpu.memref_slice %arg3[%mul3A_2] : memref<65536xf32, #tpu.memory_space<hbm>> -> memref<2048xf32, #tpu.memory_space<hbm>>
    tpu.enqueue_dma source(%dma_start3A_5 : memref<2048xf32, #tpu.memory_space<hbm>>) target(%arg6 : memref<2048xf32, #tpu.memory_space<vmem>>) target_semaphore(%arg9 : memref<!tpu.dma_semaphore, #tpu.memory_space<semaphore_mem>>)
    %broadcast_in_dim3A = arith.constant 0.000000e+00 : f32
    %broadcast_in_dim3A_6 = vector.broadcast %broadcast_in_dim3A : f32 to vector<16xf32>
    %iota3A = tpu.iota {dimensions = array<i32: 0>} : vector<16xi32>
    %scan3A = arith.constant 0 : i32
    %scan3A_7 = arith.constant 0 : i32
    %scan3A_8 = arith.constant 24 : i32
    %scan3A_9 = arith.addi %scan3A_7, %scan3A_8 : i32
    %scan3A_10 = arith.constant 1 : i32
    %scan3A_11 = scf.for %scan3A_101 = %scan3A_7 to %scan3A_9 step %scan3A_10 iter_args(%scan3A_102 = %scan3A) -> (i32)  : i32 {
      %scan3A_103 = arith.constant 0 : i32
      %scan3A_104 = arith.constant 0 : i32
      %scan3A_105 = arith.constant 16 : i32
      %scan3A_106 = arith.addi %scan3A_104, %scan3A_105 : i32
      %scan3A_107 = arith.constant 1 : i32
      %scan3A_108 = scf.for %scan3A_110 = %scan3A_104 to %scan3A_106 step %scan3A_107 iter_args(%scan3A_111 = %scan3A_103) -> (i32)  : i32 {
        %mul3A_112 = arith.constant 8 : i32
        %mul3A_113 = arith.muli %scan3A_110, %mul3A_112 : i32
        %add3A_114 = arith.constant 0 : i32
        %add3A_115 = arith.addi %mul3A_113, %add3A_114 : i32
        %mul3A_116 = arith.constant 16 : i32
        %mul3A_117 = arith.muli %add3A_115, %mul3A_116 : i32
        %swap3A = arith.index_cast %scan3A_101 : i32 to index
        %swap3A_118 = arith.index_cast %mul3A_117 : i32 to index
        %swap3A_119 = tpu.vector_load %arg7[%swap3A, %swap3A_118] {strides = array<i32>} : memref<24x2048xf32, #tpu.memory_space<vmem>>, vector<16xf32>,
        tpu.vector_store %arg7[%swap3A, %swap3A_118], %broadcast_in_dim3A_6 {strides = array<i32>} : memref<24x2048xf32, #tpu.memory_space<vmem>>, vector<16xf32>,
        %mul3A_120 = arith.constant 8 : i32
        %mul3A_121 = arith.muli %scan3A_110, %mul3A_120 : i32
        %add3A_122 = arith.constant 1 : i32
        %add3A_123 = arith.addi %mul3A_121, %add3A_122 : i32
        %mul3A_124 = arith.constant 16 : i32
        %mul3A_125 = arith.muli %add3A_123, %mul3A_124 : i32
        %swap3A_126 = arith.index_cast %scan3A_101 : i32 to index
        %swap3A_127 = arith.index_cast %mul3A_125 : i32 to index
        %swap3A_128 = tpu.vector_load %arg7[%swap3A_126, %swap3A_127] {strides = array<i32>} : memref<24x2048xf32, #tpu.memory_space<vmem>>, vector<16xf32>,
        tpu.vector_store %arg7[%swap3A_126, %swap3A_127], %broadcast_in_dim3A_6 {strides = array<i32>} : memref<24x2048xf32, #tpu.memory_space<vmem>>, vector<16xf32>,
        %mul3A_129 = arith.constant 8 : i32
        %mul3A_130 = arith.muli %scan3A_110, %mul3A_129 : i32
        %add3A_131 = arith.constant 2 : i32
        %add3A_132 = arith.addi %mul3A_130, %add3A_131 : i32
        %mul3A_133 = arith.constant 16 : i32
        %mul3A_134 = arith.muli %add3A_132, %mul3A_133 : i32
        %swap3A_135 = arith.index_cast %scan3A_101 : i32 to index
        %swap3A_136 = arith.index_cast %mul3A_134 : i32 to index
        %swap3A_137 = tpu.vector_load %arg7[%swap3A_135, %swap3A_136] {strides = array<i32>} : memref<24x2048xf32, #tpu.memory_space<vmem>>, vector<16xf32>,
        tpu.vector_store %arg7[%swap3A_135, %swap3A_136], %broadcast_in_dim3A_6 {strides = array<i32>} : memref<24x2048xf32, #tpu.memory_space<vmem>>, vector<16xf32>,
        %mul3A_138 = arith.constant 8 : i32
        %mul3A_139 = arith.muli %scan3A_110, %mul3A_138 : i32
        %add3A_140 = arith.constant 3 : i32
        %add3A_141 = arith.addi %mul3A_139, %add3A_140 : i32
        %mul3A_142 = arith.constant 16 : i32
        %mul3A_143 = arith.muli %add3A_141, %mul3A_142 : i32
        %swap3A_144 = arith.index_cast %scan3A_101 : i32 to index
        %swap3A_145 = arith.index_cast %mul3A_143 : i32 to index
        %swap3A_146 = tpu.vector_load %arg7[%swap3A_144, %swap3A_145] {strides = array<i32>} : memref<24x2048xf32, #tpu.memory_space<vmem>>, vector<16xf32>,
        tpu.vector_store %arg7[%swap3A_144, %swap3A_145], %broadcast_in_dim3A_6 {strides = array<i32>} : memref<24x2048xf32, #tpu.memory_space<vmem>>, vector<16xf32>,
        %mul3A_147 = arith.constant 8 : i32
        %mul3A_148 = arith.muli %scan3A_110, %mul3A_147 : i32
        %add3A_149 = arith.constant 4 : i32
        %add3A_150 = arith.addi %mul3A_148, %add3A_149 : i32
        %mul3A_151 = arith.constant 16 : i32
        %mul3A_152 = arith.muli %add3A_150, %mul3A_151 : i32
        %swap3A_153 = arith.index_cast %scan3A_101 : i32 to index
        %swap3A_154 = arith.index_cast %mul3A_152 : i32 to index
        %swap3A_155 = tpu.vector_load %arg7[%swap3A_153, %swap3A_154] {strides = array<i32>} : memref<24x2048xf32, #tpu.memory_space<vmem>>, vector<16xf32>,
        tpu.vector_store %arg7[%swap3A_153, %swap3A_154], %broadcast_in_dim3A_6 {strides = array<i32>} : memref<24x2048xf32, #tpu.memory_space<vmem>>, vector<16xf32>,
        %mul3A_156 = arith.constant 8 : i32
        %mul3A_157 = arith.muli %scan3A_110, %mul3A_156 : i32
        %add3A_158 = arith.constant 5 : i32
        %add3A_159 = arith.addi %mul3A_157, %add3A_158 : i32
        %mul3A_160 = arith.constant 16 : i32
        %mul3A_161 = arith.muli %add3A_159, %mul3A_160 : i32
        %swap3A_162 = arith.index_cast %scan3A_101 : i32 to index
        %swap3A_163 = arith.index_cast %mul3A_161 : i32 to index
        %swap3A_164 = tpu.vector_load %arg7[%swap3A_162, %swap3A_163] {strides = array<i32>} : memref<24x2048xf32, #tpu.memory_space<vmem>>, vector<16xf32>,
        tpu.vector_store %arg7[%swap3A_162, %swap3A_163], %broadcast_in_dim3A_6 {strides = array<i32>} : memref<24x2048xf32, #tpu.memory_space<vmem>>, vector<16xf32>,
        %mul3A_165 = arith.constant 8 : i32
        %mul3A_166 = arith.muli %scan3A_110, %mul3A_165 : i32
        %add3A_167 = arith.constant 6 : i32
        %add3A_168 = arith.addi %mul3A_166, %add3A_167 : i32
        %mul3A_169 = arith.constant 16 : i32
        %mul3A_170 = arith.muli %add3A_168, %mul3A_169 : i32
        %swap3A_171 = arith.index_cast %scan3A_101 : i32 to index
        %swap3A_172 = arith.index_cast %mul3A_170 : i32 to index
        %swap3A_173 = tpu.vector_load %arg7[%swap3A_171, %swap3A_172] {strides = array<i32>} : memref<24x2048xf32, #tpu.memory_space<vmem>>, vector<16xf32>,
        tpu.vector_store %arg7[%swap3A_171, %swap3A_172], %broadcast_in_dim3A_6 {strides = array<i32>} : memref<24x2048xf32, #tpu.memory_space<vmem>>, vector<16xf32>,
        %mul3A_174 = arith.constant 8 : i32
        %mul3A_175 = arith.muli %scan3A_110, %mul3A_174 : i32
        %add3A_176 = arith.constant 7 : i32
        %add3A_177 = arith.addi %mul3A_175, %add3A_176 : i32
        %mul3A_178 = arith.constant 16 : i32
        %mul3A_179 = arith.muli %add3A_177, %mul3A_178 : i32
        %swap3A_180 = arith.index_cast %scan3A_101 : i32 to index
        %swap3A_181 = arith.index_cast %mul3A_179 : i32 to index
        %swap3A_182 = tpu.vector_load %arg7[%swap3A_180, %swap3A_181] {strides = array<i32>} : memref<24x2048xf32, #tpu.memory_space<vmem>>, vector<16xf32>,
        tpu.vector_store %arg7[%swap3A_180, %swap3A_181], %broadcast_in_dim3A_6 {strides = array<i32>} : memref<24x2048xf32, #tpu.memory_space<vmem>>, vector<16xf32>,
        %mul3A_183 = arith.constant 8 : i32
        %mul3A_184 = arith.muli %scan3A_110, %mul3A_183 : i32
        %add3A_185 = arith.constant 0 : i32
        %add3A_186 = arith.addi %mul3A_184, %add3A_185 : i32
        %mul3A_187 = arith.constant 16 : i32
        %mul3A_188 = arith.muli %add3A_186, %mul3A_187 : i32
        %swap3A_189 = arith.index_cast %scan3A_101 : i32 to index
        %swap3A_190 = arith.index_cast %mul3A_188 : i32 to index
        %swap3A_191 = tpu.vector_load %arg8[%swap3A_189, %swap3A_190] {strides = array<i32>} : memref<24x2048xf32, #tpu.memory_space<vmem>>, vector<16xf32>,
        tpu.vector_store %arg8[%swap3A_189, %swap3A_190], %broadcast_in_dim3A_6 {strides = array<i32>} : memref<24x2048xf32, #tpu.memory_space<vmem>>, vector<16xf32>,
        %mul3A_192 = arith.constant 8 : i32
        %mul3A_193 = arith.muli %scan3A_110, %mul3A_192 : i32
        %add3A_194 = arith.constant 1 : i32
        %add3A_195 = arith.addi %mul3A_193, %add3A_194 : i32
        %mul3A_196 = arith.constant 16 : i32
        %mul3A_197 = arith.muli %add3A_195, %mul3A_196 : i32
        %swap3A_198 = arith.index_cast %scan3A_101 : i32 to index
        %swap3A_199 = arith.index_cast %mul3A_197 : i32 to index
        %swap3A_200 = tpu.vector_load %arg8[%swap3A_198, %swap3A_199] {strides = array<i32>} : memref<24x2048xf32, #tpu.memory_space<vmem>>, vector<16xf32>,
        tpu.vector_store %arg8[%swap3A_198, %swap3A_199], %broadcast_in_dim3A_6 {strides = array<i32>} : memref<24x2048xf32, #tpu.memory_space<vmem>>, vector<16xf32>,
        %mul3A_201 = arith.constant 8 : i32
        %mul3A_202 = arith.muli %scan3A_110, %mul3A_201 : i32
        %add3A_203 = arith.constant 2 : i32
        %add3A_204 = arith.addi %mul3A_202, %add3A_203 : i32
        %mul3A_205 = arith.constant 16 : i32
        %mul3A_206 = arith.muli %add3A_204, %mul3A_205 : i32
        %swap3A_207 = arith.index_cast %scan3A_101 : i32 to index
        %swap3A_208 = arith.index_cast %mul3A_206 : i32 to index
        %swap3A_209 = tpu.vector_load %arg8[%swap3A_207, %swap3A_208] {strides = array<i32>} : memref<24x2048xf32, #tpu.memory_space<vmem>>, vector<16xf32>,
        tpu.vector_store %arg8[%swap3A_207, %swap3A_208], %broadcast_in_dim3A_6 {strides = array<i32>} : memref<24x2048xf32, #tpu.memory_space<vmem>>, vector<16xf32>,
        %mul3A_210 = arith.constant 8 : i32
        %mul3A_211 = arith.muli %scan3A_110, %mul3A_210 : i32
        %add3A_212 = arith.constant 3 : i32
        %add3A_213 = arith.addi %mul3A_211, %add3A_212 : i32
        %mul3A_214 = arith.constant 16 : i32
        %mul3A_215 = arith.muli %add3A_213, %mul3A_214 : i32
        %swap3A_216 = arith.index_cast %scan3A_101 : i32 to index
        %swap3A_217 = arith.index_cast %mul3A_215 : i32 to index
        %swap3A_218 = tpu.vector_load %arg8[%swap3A_216, %swap3A_217] {strides = array<i32>} : memref<24x2048xf32, #tpu.memory_space<vmem>>, vector<16xf32>,
        tpu.vector_store %arg8[%swap3A_216, %swap3A_217], %broadcast_in_dim3A_6 {strides = array<i32>} : memref<24x2048xf32, #tpu.memory_space<vmem>>, vector<16xf32>,
        %mul3A_219 = arith.constant 8 : i32
        %mul3A_220 = arith.muli %scan3A_110, %mul3A_219 : i32
        %add3A_221 = arith.constant 4 : i32
        %add3A_222 = arith.addi %mul3A_220, %add3A_221 : i32
        %mul3A_223 = arith.constant 16 : i32
        %mul3A_224 = arith.muli %add3A_222, %mul3A_223 : i32
        %swap3A_225 = arith.index_cast %scan3A_101 : i32 to index
        %swap3A_226 = arith.index_cast %mul3A_224 : i32 to index
        %swap3A_227 = tpu.vector_load %arg8[%swap3A_225, %swap3A_226] {strides = array<i32>} : memref<24x2048xf32, #tpu.memory_space<vmem>>, vector<16xf32>,
        tpu.vector_store %arg8[%swap3A_225, %swap3A_226], %broadcast_in_dim3A_6 {strides = array<i32>} : memref<24x2048xf32, #tpu.memory_space<vmem>>, vector<16xf32>,
        %mul3A_228 = arith.constant 8 : i32
        %mul3A_229 = arith.muli %scan3A_110, %mul3A_228 : i32
        %add3A_230 = arith.constant 5 : i32
        %add3A_231 = arith.addi %mul3A_229, %add3A_230 : i32
        %mul3A_232 = arith.constant 16 : i32
        %mul3A_233 = arith.muli %add3A_231, %mul3A_232 : i32
        %swap3A_234 = arith.index_cast %scan3A_101 : i32 to index
        %swap3A_235 = arith.index_cast %mul3A_233 : i32 to index
        %swap3A_236 = tpu.vector_load %arg8[%swap3A_234, %swap3A_235] {strides = array<i32>} : memref<24x2048xf32, #tpu.memory_space<vmem>>, vector<16xf32>,
        tpu.vector_store %arg8[%swap3A_234, %swap3A_235], %broadcast_in_dim3A_6 {strides = array<i32>} : memref<24x2048xf32, #tpu.memory_space<vmem>>, vector<16xf32>,
        %mul3A_237 = arith.constant 8 : i32
        %mul3A_238 = arith.muli %scan3A_110, %mul3A_237 : i32
        %add3A_239 = arith.constant 6 : i32
        %add3A_240 = arith.addi %mul3A_238, %add3A_239 : i32
        %mul3A_241 = arith.constant 16 : i32
        %mul3A_242 = arith.muli %add3A_240, %mul3A_241 : i32
        %swap3A_243 = arith.index_cast %scan3A_101 : i32 to index
        %swap3A_244 = arith.index_cast %mul3A_242 : i32 to index
        %swap3A_245 = tpu.vector_load %arg8[%swap3A_243, %swap3A_244] {strides = array<i32>} : memref<24x2048xf32, #tpu.memory_space<vmem>>, vector<16xf32>,
        tpu.vector_store %arg8[%swap3A_243, %swap3A_244], %broadcast_in_dim3A_6 {strides = array<i32>} : memref<24x2048xf32, #tpu.memory_space<vmem>>, vector<16xf32>,
        %mul3A_246 = arith.constant 8 : i32
        %mul3A_247 = arith.muli %scan3A_110, %mul3A_246 : i32
        %add3A_248 = arith.constant 7 : i32
        %add3A_249 = arith.addi %mul3A_247, %add3A_248 : i32
        %mul3A_250 = arith.constant 16 : i32
        %mul3A_251 = arith.muli %add3A_249, %mul3A_250 : i32
        %swap3A_252 = arith.index_cast %scan3A_101 : i32 to index
        %swap3A_253 = arith.index_cast %mul3A_251 : i32 to index
        %swap3A_254 = tpu.vector_load %arg8[%swap3A_252, %swap3A_253] {strides = array<i32>} : memref<24x2048xf32, #tpu.memory_space<vmem>>, vector<16xf32>,
        tpu.vector_store %arg8[%swap3A_252, %swap3A_253], %broadcast_in_dim3A_6 {strides = array<i32>} : memref<24x2048xf32, #tpu.memory_space<vmem>>, vector<16xf32>,
        %scan3A_255 = arith.constant 0 : i32
        scf.yield %scan3A_255 : i32
      }
      %scan3A_109 = arith.constant 16 : i32
      scf.yield %scan3A_108 : i32
    }
    %scan3A_12 = arith.constant 24 : i32
    %dma_wait3A = tpu.memref_slice %arg3[%mul3A_2] : memref<65536xf32, #tpu.memory_space<hbm>> -> memref<2048xf32, #tpu.memory_space<hbm>>
    %dma_wait3A_13 = tpu.memref_slice %arg3[%mul3A_2] : memref<65536xf32, #tpu.memory_space<hbm>> -> memref<2048xf32, #tpu.memory_space<hbm>>
    tpu.wait_dma2 semaphore(%arg9 : memref<!tpu.dma_semaphore, #tpu.memory_space<semaphore_mem>>) src(%dma_wait3A_13 : memref<2048xf32, #tpu.memory_space<hbm>>) dst(%arg6 : memref<2048xf32, #tpu.memory_space<vmem>>)
    %dma_wait3A_14 = tpu.memref_slice %arg2[%mul3A_2] : memref<65536xi32, #tpu.memory_space<hbm>> -> memref<2048xi32, #tpu.memory_space<hbm>>
    %dma_wait3A_15 = tpu.memref_slice %arg2[%mul3A_2] : memref<65536xi32, #tpu.memory_space<hbm>> -> memref<2048xi32, #tpu.memory_space<hbm>>
    tpu.wait_dma2 semaphore(%arg9 : memref<!tpu.dma_semaphore, #tpu.memory_space<semaphore_mem>>) src(%dma_wait3A_15 : memref<2048xi32, #tpu.memory_space<hbm>>) dst(%arg5 : memref<2048xi32, #tpu.memory_space<vmem>>)
    %scan3A_16 = arith.constant -1048576 : i32
    %scan3A_17 = arith.constant 24 : i32
    %scan3A_18 = arith.constant 0 : i32
    %scan3A_19 = arith.constant 0 : i32
    %scan3A_20 = arith.constant 0 : i32
    %scan3A_21 = arith.constant 32 : i32
    %scan3A_22 = arith.addi %scan3A_20, %scan3A_21 : i32
    %scan3A_23 = arith.constant 1 : i32
    %scan3A_24 = scf.for %scan3A_101 = %scan3A_20 to %scan3A_22 step %scan3A_23 iter_args(%scan3A_102 = %scan3A_19) -> (i32)  : i32 {
      %mul3A_103 = arith.constant 4 : i32
      %mul3A_104 = arith.muli %scan3A_101, %mul3A_103 : i32
      %add3A_105 = arith.constant 0 : i32
      %add3A_106 = arith.addi %mul3A_104, %add3A_105 : i32
      %mul3A_107 = arith.constant 16 : i32
      %mul3A_108 = arith.muli %add3A_106, %mul3A_107 : i32
      %add3A_109 = vector.broadcast %mul3A_108 : i32 to vector<16xi32>
      %add3A_110 = arith.addi %iota3A, %add3A_109 : vector<16xi32>
      %mul3A_111 = arith.constant 16 : i32
      %mul3A_112 = arith.muli %add3A_106, %mul3A_111 : i32
      %get3A = arith.index_cast %mul3A_112 : i32 to index
      %get3A_113 = tpu.vector_load %arg5[%get3A] {strides = array<i32>} : memref<2048xi32, #tpu.memory_space<vmem>>, vector<16xi32>,
      %add3A_114 = arith.constant 1 : i32
      %add3A_115 = vector.broadcast %add3A_114 : i32 to vector<16xi32>
      %add3A_116 = arith.addi %get3A_113, %add3A_115 : vector<16xi32>
      %sub3A = vector.broadcast %scan3A_16 : i32 to vector<16xi32>
      %sub3A_117 = arith.subi %get3A_113, %sub3A : vector<16xi32>
      %sub3A_118 = vector.broadcast %scan3A_16 : i32 to vector<16xi32>
      %sub3A_119 = arith.subi %add3A_116, %sub3A_118 : vector<16xi32>
      %lt3A = vector.broadcast %scan3A_17 : i32 to vector<16xi32>
      %lt3A_120 = arith.cmpi ult, %sub3A_117, %lt3A : vector<16xi32>
      %lt3A_121 = vector.broadcast %scan3A_17 : i32 to vector<16xi32>
      %lt3A_122 = arith.cmpi ult, %sub3A_119, %lt3A_121 : vector<16xi32>
      tpu.vector_store_idx %arg7[%sub3A_117, %add3A_110], %broadcast_in_dim3A_6 masked %lt3A_120 : memref<24x2048xf32, #tpu.memory_space<vmem>>[vector<16xi32>, vector<16xi32>], vector<16xf32>, vector<16xi1>
      tpu.vector_store_idx %arg7[%sub3A_119, %add3A_110], %broadcast_in_dim3A_6 masked %lt3A_122 : memref<24x2048xf32, #tpu.memory_space<vmem>>[vector<16xi32>, vector<16xi32>], vector<16xf32>, vector<16xi1>
      %sub3A_123 = vector.broadcast %scan3A_18 : i32 to vector<16xi32>
      %sub3A_124 = arith.subi %get3A_113, %sub3A_123 : vector<16xi32>
      %sub3A_125 = vector.broadcast %scan3A_18 : i32 to vector<16xi32>
      %sub3A_126 = arith.subi %add3A_116, %sub3A_125 : vector<16xi32>
      %lt3A_127 = vector.broadcast %scan3A_17 : i32 to vector<16xi32>
      %lt3A_128 = arith.cmpi ult, %sub3A_124, %lt3A_127 : vector<16xi32>
      %lt3A_129 = vector.broadcast %scan3A_17 : i32 to vector<16xi32>
      %lt3A_130 = arith.cmpi ult, %sub3A_126, %lt3A_129 : vector<16xi32>
      %mul3A_131 = arith.constant 16 : i32
      %mul3A_132 = arith.muli %add3A_106, %mul3A_131 : i32
      %get3A_133 = arith.index_cast %mul3A_132 : i32 to index
      %get3A_134 = tpu.vector_load %arg6[%get3A_133] {strides = array<i32>} : memref<2048xf32, #tpu.memory_space<vmem>>, vector<16xf32>,
      tpu.vector_store_idx %arg7[%sub3A_124, %add3A_110], %get3A_134 masked %lt3A_128 : memref<24x2048xf32, #tpu.memory_space<vmem>>[vector<16xi32>, vector<16xi32>], vector<16xf32>, vector<16xi1>
      %sub3A_135 = arith.constant 1.000000e+00 : f32
      %sub3A_136 = vector.broadcast %sub3A_135 : f32 to vector<16xf32>
      %sub3A_137 = arith.subf %sub3A_136, %get3A_134 : vector<16xf32>
      tpu.vector_store_idx %arg7[%sub3A_126, %add3A_110], %sub3A_137 masked %lt3A_130 : memref<24x2048xf32, #tpu.memory_space<vmem>>[vector<16xi32>, vector<16xi32>], vector<16xf32>, vector<16xi1>
      %mul3A_138 = arith.constant 4 : i32
      %mul3A_139 = arith.muli %scan3A_101, %mul3A_138 : i32
      %add3A_140 = arith.constant 1 : i32
      %add3A_141 = arith.addi %mul3A_139, %add3A_140 : i32
      %mul3A_142 = arith.constant 16 : i32
      %mul3A_143 = arith.muli %add3A_141, %mul3A_142 : i32
      %add3A_144 = vector.broadcast %mul3A_143 : i32 to vector<16xi32>
      %add3A_145 = arith.addi %iota3A, %add3A_144 : vector<16xi32>
      %mul3A_146 = arith.constant 16 : i32
      %mul3A_147 = arith.muli %add3A_141, %mul3A_146 : i32
      %get3A_148 = arith.index_cast %mul3A_147 : i32 to index
      %get3A_149 = tpu.vector_load %arg5[%get3A_148] {strides = array<i32>} : memref<2048xi32, #tpu.memory_space<vmem>>, vector<16xi32>,
      %add3A_150 = arith.constant 1 : i32
      %add3A_151 = vector.broadcast %add3A_150 : i32 to vector<16xi32>
      %add3A_152 = arith.addi %get3A_149, %add3A_151 : vector<16xi32>
      %sub3A_153 = vector.broadcast %scan3A_16 : i32 to vector<16xi32>
      %sub3A_154 = arith.subi %get3A_149, %sub3A_153 : vector<16xi32>
      %sub3A_155 = vector.broadcast %scan3A_16 : i32 to vector<16xi32>
      %sub3A_156 = arith.subi %add3A_152, %sub3A_155 : vector<16xi32>
      %lt3A_157 = vector.broadcast %scan3A_17 : i32 to vector<16xi32>
      %lt3A_158 = arith.cmpi ult, %sub3A_154, %lt3A_157 : vector<16xi32>
      %lt3A_159 = vector.broadcast %scan3A_17 : i32 to vector<16xi32>
      %lt3A_160 = arith.cmpi ult, %sub3A_156, %lt3A_159 : vector<16xi32>
      tpu.vector_store_idx %arg7[%sub3A_154, %add3A_145], %broadcast_in_dim3A_6 masked %lt3A_158 : memref<24x2048xf32, #tpu.memory_space<vmem>>[vector<16xi32>, vector<16xi32>], vector<16xf32>, vector<16xi1>
      tpu.vector_store_idx %arg7[%sub3A_156, %add3A_145], %broadcast_in_dim3A_6 masked %lt3A_160 : memref<24x2048xf32, #tpu.memory_space<vmem>>[vector<16xi32>, vector<16xi32>], vector<16xf32>, vector<16xi1>
      %sub3A_161 = vector.broadcast %scan3A_18 : i32 to vector<16xi32>
      %sub3A_162 = arith.subi %get3A_149, %sub3A_161 : vector<16xi32>
      %sub3A_163 = vector.broadcast %scan3A_18 : i32 to vector<16xi32>
      %sub3A_164 = arith.subi %add3A_152, %sub3A_163 : vector<16xi32>
      %lt3A_165 = vector.broadcast %scan3A_17 : i32 to vector<16xi32>
      %lt3A_166 = arith.cmpi ult, %sub3A_162, %lt3A_165 : vector<16xi32>
      %lt3A_167 = vector.broadcast %scan3A_17 : i32 to vector<16xi32>
      %lt3A_168 = arith.cmpi ult, %sub3A_164, %lt3A_167 : vector<16xi32>
      %mul3A_169 = arith.constant 16 : i32
      %mul3A_170 = arith.muli %add3A_141, %mul3A_169 : i32
      %get3A_171 = arith.index_cast %mul3A_170 : i32 to index
      %get3A_172 = tpu.vector_load %arg6[%get3A_171] {strides = array<i32>} : memref<2048xf32, #tpu.memory_space<vmem>>, vector<16xf32>,
      tpu.vector_store_idx %arg7[%sub3A_162, %add3A_145], %get3A_172 masked %lt3A_166 : memref<24x2048xf32, #tpu.memory_space<vmem>>[vector<16xi32>, vector<16xi32>], vector<16xf32>, vector<16xi1>
      %sub3A_173 = arith.constant 1.000000e+00 : f32
      %sub3A_174 = vector.broadcast %sub3A_173 : f32 to vector<16xf32>
      %sub3A_175 = arith.subf %sub3A_174, %get3A_172 : vector<16xf32>
      tpu.vector_store_idx %arg7[%sub3A_164, %add3A_145], %sub3A_175 masked %lt3A_168 : memref<24x2048xf32, #tpu.memory_space<vmem>>[vector<16xi32>, vector<16xi32>], vector<16xf32>, vector<16xi1>
      %mul3A_176 = arith.constant 4 : i32
      %mul3A_177 = arith.muli %scan3A_101, %mul3A_176 : i32
      %add3A_178 = arith.constant 2 : i32
      %add3A_179 = arith.addi %mul3A_177, %add3A_178 : i32
      %mul3A_180 = arith.constant 16 : i32
      %mul3A_181 = arith.muli %add3A_179, %mul3A_180 : i32
      %add3A_182 = vector.broadcast %mul3A_181 : i32 to vector<16xi32>
      %add3A_183 = arith.addi %iota3A, %add3A_182 : vector<16xi32>
      %mul3A_184 = arith.constant 16 : i32
      %mul3A_185 = arith.muli %add3A_179, %mul3A_184 : i32
      %get3A_186 = arith.index_cast %mul3A_185 : i32 to index
      %get3A_187 = tpu.vector_load %arg5[%get3A_186] {strides = array<i32>} : memref<2048xi32, #tpu.memory_space<vmem>>, vector<16xi32>,
      %add3A_188 = arith.constant 1 : i32
      %add3A_189 = vector.broadcast %add3A_188 : i32 to vector<16xi32>
      %add3A_190 = arith.addi %get3A_187, %add3A_189 : vector<16xi32>
      %sub3A_191 = vector.broadcast %scan3A_16 : i32 to vector<16xi32>
      %sub3A_192 = arith.subi %get3A_187, %sub3A_191 : vector<16xi32>
      %sub3A_193 = vector.broadcast %scan3A_16 : i32 to vector<16xi32>
      %sub3A_194 = arith.subi %add3A_190, %sub3A_193 : vector<16xi32>
      %lt3A_195 = vector.broadcast %scan3A_17 : i32 to vector<16xi32>
      %lt3A_196 = arith.cmpi ult, %sub3A_192, %lt3A_195 : vector<16xi32>
      %lt3A_197 = vector.broadcast %scan3A_17 : i32 to vector<16xi32>
      %lt3A_198 = arith.cmpi ult, %sub3A_194, %lt3A_197 : vector<16xi32>
      tpu.vector_store_idx %arg7[%sub3A_192, %add3A_183], %broadcast_in_dim3A_6 masked %lt3A_196 : memref<24x2048xf32, #tpu.memory_space<vmem>>[vector<16xi32>, vector<16xi32>], vector<16xf32>, vector<16xi1>
      tpu.vector_store_idx %arg7[%sub3A_194, %add3A_183], %broadcast_in_dim3A_6 masked %lt3A_198 : memref<24x2048xf32, #tpu.memory_space<vmem>>[vector<16xi32>, vector<16xi32>], vector<16xf32>, vector<16xi1>
      %sub3A_199 = vector.broadcast %scan3A_18 : i32 to vector<16xi32>
      %sub3A_200 = arith.subi %get3A_187, %sub3A_199 : vector<16xi32>
      %sub3A_201 = vector.broadcast %scan3A_18 : i32 to vector<16xi32>
      %sub3A_202 = arith.subi %add3A_190, %sub3A_201 : vector<16xi32>
      %lt3A_203 = vector.broadcast %scan3A_17 : i32 to vector<16xi32>
      %lt3A_204 = arith.cmpi ult, %sub3A_200, %lt3A_203 : vector<16xi32>
      %lt3A_205 = vector.broadcast %scan3A_17 : i32 to vector<16xi32>
      %lt3A_206 = arith.cmpi ult, %sub3A_202, %lt3A_205 : vector<16xi32>
      %mul3A_207 = arith.constant 16 : i32
      %mul3A_208 = arith.muli %add3A_179, %mul3A_207 : i32
      %get3A_209 = arith.index_cast %mul3A_208 : i32 to index
      %get3A_210 = tpu.vector_load %arg6[%get3A_209] {strides = array<i32>} : memref<2048xf32, #tpu.memory_space<vmem>>, vector<16xf32>,
      tpu.vector_store_idx %arg7[%sub3A_200, %add3A_183], %get3A_210 masked %lt3A_204 : memref<24x2048xf32, #tpu.memory_space<vmem>>[vector<16xi32>, vector<16xi32>], vector<16xf32>, vector<16xi1>
      %sub3A_211 = arith.constant 1.000000e+00 : f32
      %sub3A_212 = vector.broadcast %sub3A_211 : f32 to vector<16xf32>
      %sub3A_213 = arith.subf %sub3A_212, %get3A_210 : vector<16xf32>
      tpu.vector_store_idx %arg7[%sub3A_202, %add3A_183], %sub3A_213 masked %lt3A_206 : memref<24x2048xf32, #tpu.memory_space<vmem>>[vector<16xi32>, vector<16xi32>], vector<16xf32>, vector<16xi1>
      %mul3A_214 = arith.constant 4 : i32
      %mul3A_215 = arith.muli %scan3A_101, %mul3A_214 : i32
      %add3A_216 = arith.constant 3 : i32
      %add3A_217 = arith.addi %mul3A_215, %add3A_216 : i32
      %mul3A_218 = arith.constant 16 : i32
      %mul3A_219 = arith.muli %add3A_217, %mul3A_218 : i32
      %add3A_220 = vector.broadcast %mul3A_219 : i32 to vector<16xi32>
      %add3A_221 = arith.addi %iota3A, %add3A_220 : vector<16xi32>
      %mul3A_222 = arith.constant 16 : i32
      %mul3A_223 = arith.muli %add3A_217, %mul3A_222 : i32
      %get3A_224 = arith.index_cast %mul3A_223 : i32 to index
      %get3A_225 = tpu.vector_load %arg5[%get3A_224] {strides = array<i32>} : memref<2048xi32, #tpu.memory_space<vmem>>, vector<16xi32>,
      %add3A_226 = arith.constant 1 : i32
      %add3A_227 = vector.broadcast %add3A_226 : i32 to vector<16xi32>
      %add3A_228 = arith.addi %get3A_225, %add3A_227 : vector<16xi32>
      %sub3A_229 = vector.broadcast %scan3A_16 : i32 to vector<16xi32>
      %sub3A_230 = arith.subi %get3A_225, %sub3A_229 : vector<16xi32>
      %sub3A_231 = vector.broadcast %scan3A_16 : i32 to vector<16xi32>
      %sub3A_232 = arith.subi %add3A_228, %sub3A_231 : vector<16xi32>
      %lt3A_233 = vector.broadcast %scan3A_17 : i32 to vector<16xi32>
      %lt3A_234 = arith.cmpi ult, %sub3A_230, %lt3A_233 : vector<16xi32>
      %lt3A_235 = vector.broadcast %scan3A_17 : i32 to vector<16xi32>
      %lt3A_236 = arith.cmpi ult, %sub3A_232, %lt3A_235 : vector<16xi32>
      tpu.vector_store_idx %arg7[%sub3A_230, %add3A_221], %broadcast_in_dim3A_6 masked %lt3A_234 : memref<24x2048xf32, #tpu.memory_space<vmem>>[vector<16xi32>, vector<16xi32>], vector<16xf32>, vector<16xi1>
      tpu.vector_store_idx %arg7[%sub3A_232, %add3A_221], %broadcast_in_dim3A_6 masked %lt3A_236 : memref<24x2048xf32, #tpu.memory_space<vmem>>[vector<16xi32>, vector<16xi32>], vector<16xf32>, vector<16xi1>
      %sub3A_237 = vector.broadcast %scan3A_18 : i32 to vector<16xi32>
      %sub3A_238 = arith.subi %get3A_225, %sub3A_237 : vector<16xi32>
      %sub3A_239 = vector.broadcast %scan3A_18 : i32 to vector<16xi32>
      %sub3A_240 = arith.subi %add3A_228, %sub3A_239 : vector<16xi32>
      %lt3A_241 = vector.broadcast %scan3A_17 : i32 to vector<16xi32>
      %lt3A_242 = arith.cmpi ult, %sub3A_238, %lt3A_241 : vector<16xi32>
      %lt3A_243 = vector.broadcast %scan3A_17 : i32 to vector<16xi32>
      %lt3A_244 = arith.cmpi ult, %sub3A_240, %lt3A_243 : vector<16xi32>
      %mul3A_245 = arith.constant 16 : i32
      %mul3A_246 = arith.muli %add3A_217, %mul3A_245 : i32
      %get3A_247 = arith.index_cast %mul3A_246 : i32 to index
      %get3A_248 = tpu.vector_load %arg6[%get3A_247] {strides = array<i32>} : memref<2048xf32, #tpu.memory_space<vmem>>, vector<16xf32>,
      tpu.vector_store_idx %arg7[%sub3A_238, %add3A_221], %get3A_248 masked %lt3A_242 : memref<24x2048xf32, #tpu.memory_space<vmem>>[vector<16xi32>, vector<16xi32>], vector<16xf32>, vector<16xi1>
      %sub3A_249 = arith.constant 1.000000e+00 : f32
      %sub3A_250 = vector.broadcast %sub3A_249 : f32 to vector<16xf32>
      %sub3A_251 = arith.subf %sub3A_250, %get3A_248 : vector<16xf32>
      tpu.vector_store_idx %arg7[%sub3A_240, %add3A_221], %sub3A_251 masked %lt3A_244 : memref<24x2048xf32, #tpu.memory_space<vmem>>[vector<16xi32>, vector<16xi32>], vector<16xf32>, vector<16xi1>
      %scan3A_252 = arith.constant 0 : i32
      scf.yield %scan3A_252 : i32
    }
    %scan3A_25 = arith.constant 32 : i32
    %dma_start3A_26 = arith.constant 0 : i32
    %dma_start3A_27 = tpu.memref_slice %arg4[%dma_start3A_26, %mul3A_2] : memref<601x65536xf32, #tpu.memory_space<hbm>> -> memref<24x2048xf32, #tpu.memory_space<hbm>>
    %dma_start3A_28 = tpu.memref_slice %arg4[%dma_start3A_26, %mul3A_2] : memref<601x65536xf32, #tpu.memory_space<hbm>> -> memref<24x2048xf32, #tpu.memory_space<hbm>>
    tpu.enqueue_dma source(%arg7 : memref<24x2048xf32, #tpu.memory_space<vmem>>) target(%dma_start3A_28 : memref<24x2048xf32, #tpu.memory_space<hbm>>) target_semaphore(%arg10 : memref<!tpu.dma_semaphore, #tpu.memory_space<semaphore_mem>>)
    %scan3A_29 = arith.constant -1048576 : i32
    %scan3A_30 = arith.constant 24 : i32
    %scan3A_31 = arith.constant 24 : i32
    %scan3A_32 = arith.constant 0 : i32
    %scan3A_33 = arith.constant 0 : i32
    %scan3A_34 = arith.constant 32 : i32
    %scan3A_35 = arith.addi %scan3A_33, %scan3A_34 : i32
    %scan3A_36 = arith.constant 1 : i32
    %scan3A_37 = scf.for %scan3A_101 = %scan3A_33 to %scan3A_35 step %scan3A_36 iter_args(%scan3A_102 = %scan3A_32) -> (i32)  : i32 {
      %mul3A_103 = arith.constant 4 : i32
      %mul3A_104 = arith.muli %scan3A_101, %mul3A_103 : i32
      %add3A_105 = arith.constant 0 : i32
      %add3A_106 = arith.addi %mul3A_104, %add3A_105 : i32
      %mul3A_107 = arith.constant 16 : i32
      %mul3A_108 = arith.muli %add3A_106, %mul3A_107 : i32
      %add3A_109 = vector.broadcast %mul3A_108 : i32 to vector<16xi32>
      %add3A_110 = arith.addi %iota3A, %add3A_109 : vector<16xi32>
      %mul3A_111 = arith.constant 16 : i32
      %mul3A_112 = arith.muli %add3A_106, %mul3A_111 : i32
      %get3A = arith.index_cast %mul3A_112 : i32 to index
      %get3A_113 = tpu.vector_load %arg5[%get3A] {strides = array<i32>} : memref<2048xi32, #tpu.memory_space<vmem>>, vector<16xi32>,
      %add3A_114 = arith.constant 1 : i32
      %add3A_115 = vector.broadcast %add3A_114 : i32 to vector<16xi32>
      %add3A_116 = arith.addi %get3A_113, %add3A_115 : vector<16xi32>
      %sub3A = vector.broadcast %scan3A_29 : i32 to vector<16xi32>
      %sub3A_117 = arith.subi %get3A_113, %sub3A : vector<16xi32>
      %sub3A_118 = vector.broadcast %scan3A_29 : i32 to vector<16xi32>
      %sub3A_119 = arith.subi %add3A_116, %sub3A_118 : vector<16xi32>
      %lt3A = vector.broadcast %scan3A_30 : i32 to vector<16xi32>
      %lt3A_120 = arith.cmpi ult, %sub3A_117, %lt3A : vector<16xi32>
      %lt3A_121 = vector.broadcast %scan3A_30 : i32 to vector<16xi32>
      %lt3A_122 = arith.cmpi ult, %sub3A_119, %lt3A_121 : vector<16xi32>
      tpu.vector_store_idx %arg8[%sub3A_117, %add3A_110], %broadcast_in_dim3A_6 masked %lt3A_120 : memref<24x2048xf32, #tpu.memory_space<vmem>>[vector<16xi32>, vector<16xi32>], vector<16xf32>, vector<16xi1>
      tpu.vector_store_idx %arg8[%sub3A_119, %add3A_110], %broadcast_in_dim3A_6 masked %lt3A_122 : memref<24x2048xf32, #tpu.memory_space<vmem>>[vector<16xi32>, vector<16xi32>], vector<16xf32>, vector<16xi1>
      %sub3A_123 = vector.broadcast %scan3A_31 : i32 to vector<16xi32>
      %sub3A_124 = arith.subi %get3A_113, %sub3A_123 : vector<16xi32>
      %sub3A_125 = vector.broadcast %scan3A_31 : i32 to vector<16xi32>
      %sub3A_126 = arith.subi %add3A_116, %sub3A_125 : vector<16xi32>
      %lt3A_127 = vector.broadcast %scan3A_30 : i32 to vector<16xi32>
      %lt3A_128 = arith.cmpi ult, %sub3A_124, %lt3A_127 : vector<16xi32>
      %lt3A_129 = vector.broadcast %scan3A_30 : i32 to vector<16xi32>
      %lt3A_130 = arith.cmpi ult, %sub3A_126, %lt3A_129 : vector<16xi32>
      %mul3A_131 = arith.constant 16 : i32
      %mul3A_132 = arith.muli %add3A_106, %mul3A_131 : i32
      %get3A_133 = arith.index_cast %mul3A_132 : i32 to index
      %get3A_134 = tpu.vector_load %arg6[%get3A_133] {strides = array<i32>} : memref<2048xf32, #tpu.memory_space<vmem>>, vector<16xf32>,
      tpu.vector_store_idx %arg8[%sub3A_124, %add3A_110], %get3A_134 masked %lt3A_128 : memref<24x2048xf32, #tpu.memory_space<vmem>>[vector<16xi32>, vector<16xi32>], vector<16xf32>, vector<16xi1>
      %sub3A_135 = arith.constant 1.000000e+00 : f32
      %sub3A_136 = vector.broadcast %sub3A_135 : f32 to vector<16xf32>
      %sub3A_137 = arith.subf %sub3A_136, %get3A_134 : vector<16xf32>
      tpu.vector_store_idx %arg8[%sub3A_126, %add3A_110], %sub3A_137 masked %lt3A_130 : memref<24x2048xf32, #tpu.memory_space<vmem>>[vector<16xi32>, vector<16xi32>], vector<16xf32>, vector<16xi1>
      %mul3A_138 = arith.constant 4 : i32
      %mul3A_139 = arith.muli %scan3A_101, %mul3A_138 : i32
      %add3A_140 = arith.constant 1 : i32
      %add3A_141 = arith.addi %mul3A_139, %add3A_140 : i32
      %mul3A_142 = arith.constant 16 : i32
      %mul3A_143 = arith.muli %add3A_141, %mul3A_142 : i32
      %add3A_144 = vector.broadcast %mul3A_143 : i32 to vector<16xi32>
      %add3A_145 = arith.addi %iota3A, %add3A_144 : vector<16xi32>
      %mul3A_146 = arith.constant 16 : i32
      %mul3A_147 = arith.muli %add3A_141, %mul3A_146 : i32
      %get3A_148 = arith.index_cast %mul3A_147 : i32 to index
      %get3A_149 = tpu.vector_load %arg5[%get3A_148] {strides = array<i32>} : memref<2048xi32, #tpu.memory_space<vmem>>, vector<16xi32>,
      %add3A_150 = arith.constant 1 : i32
      %add3A_151 = vector.broadcast %add3A_150 : i32 to vector<16xi32>
      %add3A_152 = arith.addi %get3A_149, %add3A_151 : vector<16xi32>
      %sub3A_153 = vector.broadcast %scan3A_29 : i32 to vector<16xi32>
      %sub3A_154 = arith.subi %get3A_149, %sub3A_153 : vector<16xi32>
      %sub3A_155 = vector.broadcast %scan3A_29 : i32 to vector<16xi32>
      %sub3A_156 = arith.subi %add3A_152, %sub3A_155 : vector<16xi32>
      %lt3A_157 = vector.broadcast %scan3A_30 : i32 to vector<16xi32>
      %lt3A_158 = arith.cmpi ult, %sub3A_154, %lt3A_157 : vector<16xi32>
      %lt3A_159 = vector.broadcast %scan3A_30 : i32 to vector<16xi32>
      %lt3A_160 = arith.cmpi ult, %sub3A_156, %lt3A_159 : vector<16xi32>
      tpu.vector_store_idx %arg8[%sub3A_154, %add3A_145], %broadcast_in_dim3A_6 masked %lt3A_158 : memref<24x2048xf32, #tpu.memory_space<vmem>>[vector<16xi32>, vector<16xi32>], vector<16xf32>, vector<16xi1>
      tpu.vector_store_idx %arg8[%sub3A_156, %add3A_145], %broadcast_in_dim3A_6 masked %lt3A_160 : memref<24x2048xf32, #tpu.memory_space<vmem>>[vector<16xi32>, vector<16xi32>], vector<16xf32>, vector<16xi1>
      %sub3A_161 = vector.broadcast %scan3A_31 : i32 to vector<16xi32>
      %sub3A_162 = arith.subi %get3A_149, %sub3A_161 : vector<16xi32>
      %sub3A_163 = vector.broadcast %scan3A_31 : i32 to vector<16xi32>
      %sub3A_164 = arith.subi %add3A_152, %sub3A_163 : vector<16xi32>
      %lt3A_165 = vector.broadcast %scan3A_30 : i32 to vector<16xi32>
      %lt3A_166 = arith.cmpi ult, %sub3A_162, %lt3A_165 : vector<16xi32>
      %lt3A_167 = vector.broadcast %scan3A_30 : i32 to vector<16xi32>
      %lt3A_168 = arith.cmpi ult, %sub3A_164, %lt3A_167 : vector<16xi32>
      %mul3A_169 = arith.constant 16 : i32
      %mul3A_170 = arith.muli %add3A_141, %mul3A_169 : i32
      %get3A_171 = arith.index_cast %mul3A_170 : i32 to index
      %get3A_172 = tpu.vector_load %arg6[%get3A_171] {strides = array<i32>} : memref<2048xf32, #tpu.memory_space<vmem>>, vector<16xf32>,
      tpu.vector_store_idx %arg8[%sub3A_162, %add3A_145], %get3A_172 masked %lt3A_166 : memref<24x2048xf32, #tpu.memory_space<vmem>>[vector<16xi32>, vector<16xi32>], vector<16xf32>, vector<16xi1>
      %sub3A_173 = arith.constant 1.000000e+00 : f32
      %sub3A_174 = vector.broadcast %sub3A_173 : f32 to vector<16xf32>
      %sub3A_175 = arith.subf %sub3A_174, %get3A_172 : vector<16xf32>
      tpu.vector_store_idx %arg8[%sub3A_164, %add3A_145], %sub3A_175 masked %lt3A_168 : memref<24x2048xf32, #tpu.memory_space<vmem>>[vector<16xi32>, vector<16xi32>], vector<16xf32>, vector<16xi1>
      %mul3A_176 = arith.constant 4 : i32
      %mul3A_177 = arith.muli %scan3A_101, %mul3A_176 : i32
      %add3A_178 = arith.constant 2 : i32
      %add3A_179 = arith.addi %mul3A_177, %add3A_178 : i32
      %mul3A_180 = arith.constant 16 : i32
      %mul3A_181 = arith.muli %add3A_179, %mul3A_180 : i32
      %add3A_182 = vector.broadcast %mul3A_181 : i32 to vector<16xi32>
      %add3A_183 = arith.addi %iota3A, %add3A_182 : vector<16xi32>
      %mul3A_184 = arith.constant 16 : i32
      %mul3A_185 = arith.muli %add3A_179, %mul3A_184 : i32
      %get3A_186 = arith.index_cast %mul3A_185 : i32 to index
      %get3A_187 = tpu.vector_load %arg5[%get3A_186] {strides = array<i32>} : memref<2048xi32, #tpu.memory_space<vmem>>, vector<16xi32>,
      %add3A_188 = arith.constant 1 : i32
      %add3A_189 = vector.broadcast %add3A_188 : i32 to vector<16xi32>
      %add3A_190 = arith.addi %get3A_187, %add3A_189 : vector<16xi32>
      %sub3A_191 = vector.broadcast %scan3A_29 : i32 to vector<16xi32>
      %sub3A_192 = arith.subi %get3A_187, %sub3A_191 : vector<16xi32>
      %sub3A_193 = vector.broadcast %scan3A_29 : i32 to vector<16xi32>
      %sub3A_194 = arith.subi %add3A_190, %sub3A_193 : vector<16xi32>
      %lt3A_195 = vector.broadcast %scan3A_30 : i32 to vector<16xi32>
      %lt3A_196 = arith.cmpi ult, %sub3A_192, %lt3A_195 : vector<16xi32>
      %lt3A_197 = vector.broadcast %scan3A_30 : i32 to vector<16xi32>
      %lt3A_198 = arith.cmpi ult, %sub3A_194, %lt3A_197 : vector<16xi32>
      tpu.vector_store_idx %arg8[%sub3A_192, %add3A_183], %broadcast_in_dim3A_6 masked %lt3A_196 : memref<24x2048xf32, #tpu.memory_space<vmem>>[vector<16xi32>, vector<16xi32>], vector<16xf32>, vector<16xi1>
      tpu.vector_store_idx %arg8[%sub3A_194, %add3A_183], %broadcast_in_dim3A_6 masked %lt3A_198 : memref<24x2048xf32, #tpu.memory_space<vmem>>[vector<16xi32>, vector<16xi32>], vector<16xf32>, vector<16xi1>
      %sub3A_199 = vector.broadcast %scan3A_31 : i32 to vector<16xi32>
      %sub3A_200 = arith.subi %get3A_187, %sub3A_199 : vector<16xi32>
      %sub3A_201 = vector.broadcast %scan3A_31 : i32 to vector<16xi32>
      %sub3A_202 = arith.subi %add3A_190, %sub3A_201 : vector<16xi32>
      %lt3A_203 = vector.broadcast %scan3A_30 : i32 to vector<16xi32>
      %lt3A_204 = arith.cmpi ult, %sub3A_200, %lt3A_203 : vector<16xi32>
      %lt3A_205 = vector.broadcast %scan3A_30 : i32 to vector<16xi32>
      %lt3A_206 = arith.cmpi ult, %sub3A_202, %lt3A_205 : vector<16xi32>
      %mul3A_207 = arith.constant 16 : i32
      %mul3A_208 = arith.muli %add3A_179, %mul3A_207 : i32
      %get3A_209 = arith.index_cast %mul3A_208 : i32 to index
      %get3A_210 = tpu.vector_load %arg6[%get3A_209] {strides = array<i32>} : memref<2048xf32, #tpu.memory_space<vmem>>, vector<16xf32>,
      tpu.vector_store_idx %arg8[%sub3A_200, %add3A_183], %get3A_210 masked %lt3A_204 : memref<24x2048xf32, #tpu.memory_space<vmem>>[vector<16xi32>, vector<16xi32>], vector<16xf32>, vector<16xi1>
      %sub3A_211 = arith.constant 1.000000e+00 : f32
      %sub3A_212 = vector.broadcast %sub3A_211 : f32 to vector<16xf32>
      %sub3A_213 = arith.subf %sub3A_212, %get3A_210 : vector<16xf32>
      tpu.vector_store_idx %arg8[%sub3A_202, %add3A_183], %sub3A_213 masked %lt3A_206 : memref<24x2048xf32, #tpu.memory_space<vmem>>[vector<16xi32>, vector<16xi32>], vector<16xf32>, vector<16xi1>
      %mul3A_214 = arith.constant 4 : i32
      %mul3A_215 = arith.muli %scan3A_101, %mul3A_214 : i32
      %add3A_216 = arith.constant 3 : i32
      %add3A_217 = arith.addi %mul3A_215, %add3A_216 : i32
      %mul3A_218 = arith.constant 16 : i32
      %mul3A_219 = arith.muli %add3A_217, %mul3A_218 : i32
      %add3A_220 = vector.broadcast %mul3A_219 : i32 to vector<16xi32>
      %add3A_221 = arith.addi %iota3A, %add3A_220 : vector<16xi32>
      %mul3A_222 = arith.constant 16 : i32
      %mul3A_223 = arith.muli %add3A_217, %mul3A_222 : i32
      %get3A_224 = arith.index_cast %mul3A_223 : i32 to index
      %get3A_225 = tpu.vector_load %arg5[%get3A_224] {strides = array<i32>} : memref<2048xi32, #tpu.memory_space<vmem>>, vector<16xi32>,
      %add3A_226 = arith.constant 1 : i32
      %add3A_227 = vector.broadcast %add3A_226 : i32 to vector<16xi32>
      %add3A_228 = arith.addi %get3A_225, %add3A_227 : vector<16xi32>
      %sub3A_229 = vector.broadcast %scan3A_29 : i32 to vector<16xi32>
      %sub3A_230 = arith.subi %get3A_225, %sub3A_229 : vector<16xi32>
      %sub3A_231 = vector.broadcast %scan3A_29 : i32 to vector<16xi32>
      %sub3A_232 = arith.subi %add3A_228, %sub3A_231 : vector<16xi32>
      %lt3A_233 = vector.broadcast %scan3A_30 : i32 to vector<16xi32>
      %lt3A_234 = arith.cmpi ult, %sub3A_230, %lt3A_233 : vector<16xi32>
      %lt3A_235 = vector.broadcast %scan3A_30 : i32 to vector<16xi32>
      %lt3A_236 = arith.cmpi ult, %sub3A_232, %lt3A_235 : vector<16xi32>
      tpu.vector_store_idx %arg8[%sub3A_230, %add3A_221], %broadcast_in_dim3A_6 masked %lt3A_234 : memref<24x2048xf32, #tpu.memory_space<vmem>>[vector<16xi32>, vector<16xi32>], vector<16xf32>, vector<16xi1>
      tpu.vector_store_idx %arg8[%sub3A_232, %add3A_221], %broadcast_in_dim3A_6 masked %lt3A_236 : memref<24x2048xf32, #tpu.memory_space<vmem>>[vector<16xi32>, vector<16xi32>], vector<16xf32>, vector<16xi1>
      %sub3A_237 = vector.broadcast %scan3A_31 : i32 to vector<16xi32>
      %sub3A_238 = arith.subi %get3A_225, %sub3A_237 : vector<16xi32>
      %sub3A_239 = vector.broadcast %scan3A_31 : i32 to vector<16xi32>
      %sub3A_240 = arith.subi %add3A_228, %sub3A_239 : vector<16xi32>
      %lt3A_241 = vector.broadcast %scan3A_30 : i32 to vector<16xi32>
      %lt3A_242 = arith.cmpi ult, %sub3A_238, %lt3A_241 : vector<16xi32>
      %lt3A_243 = vector.broadcast %scan3A_30 : i32 to vector<16xi32>
      %lt3A_244 = arith.cmpi ult, %sub3A_240, %lt3A_243 : vector<16xi32>
      %mul3A_245 = arith.constant 16 : i32
      %mul3A_246 = arith.muli %add3A_217, %mul3A_245 : i32
      %get3A_247 = arith.index_cast %mul3A_246 : i32 to index
      %get3A_248 = tpu.vector_load %arg6[%get3A_247] {strides = array<i32>} : memref<2048xf32, #tpu.memory_space<vmem>>, vector<16xf32>,
      tpu.vector_store_idx %arg8[%sub3A_238, %add3A_221], %get3A_248 masked %lt3A_242 : memref<24x2048xf32, #tpu.memory_space<vmem>>[vector<16xi32>, vector<16xi32>], vector<16xf32>, vector<16xi1>
      %sub3A_249 = arith.constant 1.000000e+00 : f32
      %sub3A_250 = vector.broadcast %sub3A_249 : f32 to vector<16xf32>
      %sub3A_251 = arith.subf %sub3A_250, %get3A_248 : vector<16xf32>
      tpu.vector_store_idx %arg8[%sub3A_240, %add3A_221], %sub3A_251 masked %lt3A_244 : memref<24x2048xf32, #tpu.memory_space<vmem>>[vector<16xi32>, vector<16xi32>], vector<16xf32>, vector<16xi1>
      %scan3A_252 = arith.constant 0 : i32
      scf.yield %scan3A_252 : i32
    }
    %scan3A_38 = arith.constant 32 : i32
    %dma_start3A_39 = arith.constant 24 : i32
    %dma_start3A_40 = tpu.memref_slice %arg4[%dma_start3A_39, %mul3A_2] : memref<601x65536xf32, #tpu.memory_space<hbm>> -> memref<24x2048xf32, #tpu.memory_space<hbm>>
    %dma_start3A_41 = tpu.memref_slice %arg4[%dma_start3A_39, %mul3A_2] : memref<601x65536xf32, #tpu.memory_space<hbm>> -> memref<24x2048xf32, #tpu.memory_space<hbm>>
    tpu.enqueue_dma source(%arg8 : memref<24x2048xf32, #tpu.memory_space<vmem>>) target(%dma_start3A_41 : memref<24x2048xf32, #tpu.memory_space<hbm>>) target_semaphore(%arg10 : memref<!tpu.dma_semaphore, #tpu.memory_space<semaphore_mem>>)
    %scan3A_42 = arith.constant 0 : i32
    %scan3A_43 = arith.constant 0 : i32
    %scan3A_44 = arith.constant 11 : i32
    %scan3A_45 = arith.addi %scan3A_43, %scan3A_44 : i32
    %scan3A_46 = arith.constant 1 : i32
    %scan3A_47 = scf.for %scan3A_101 = %scan3A_43 to %scan3A_45 step %scan3A_46 iter_args(%scan3A_102 = %scan3A_42) -> (i32)  : i32 {
      %mul3A_103 = arith.constant 2 : i32
      %mul3A_104 = arith.muli %scan3A_101, %mul3A_103 : i32
      %add3A_105 = arith.constant 2 : i32
      %add3A_106 = arith.addi %add3A_105, %mul3A_104 : i32
      %add3A_107 = arith.constant 0 : i32
      %add3A_108 = arith.addi %add3A_106, %add3A_107 : i32
      %mul3A_109 = arith.constant 24 : i32
      %mul3A_110 = arith.muli %add3A_108, %mul3A_109 : i32
      %dma_wait3A_111 = arith.constant 0 : i32
      %dma_wait3A_112 = tpu.memref_slice %arg4[%dma_wait3A_111, %mul3A_2] : memref<601x65536xf32, #tpu.memory_space<hbm>> -> memref<24x2048xf32, #tpu.memory_space<hbm>>
      %dma_wait3A_113 = arith.constant 0 : i32
      %dma_wait3A_114 = tpu.memref_slice %arg4[%dma_wait3A_113, %mul3A_2] : memref<601x65536xf32, #tpu.memory_space<hbm>> -> memref<24x2048xf32, #tpu.memory_space<hbm>>
      tpu.wait_dma2 semaphore(%arg10 : memref<!tpu.dma_semaphore, #tpu.memory_space<semaphore_mem>>) src(%arg7 : memref<24x2048xf32, #tpu.memory_space<vmem>>) dst(%dma_wait3A_114 : memref<24x2048xf32, #tpu.memory_space<hbm>>)
      %sub3A = arith.constant 48 : i32
      %sub3A_115 = arith.subi %mul3A_110, %sub3A : i32
      %scan3A_116 = arith.constant 24 : i32
      %scan3A_117 = arith.constant 0 : i32
      %scan3A_118 = arith.constant 0 : i32
      %scan3A_119 = arith.constant 32 : i32
      %scan3A_120 = arith.addi %scan3A_118, %scan3A_119 : i32
      %scan3A_121 = arith.constant 1 : i32
      %scan3A_122 = scf.for %scan3A_151 = %scan3A_118 to %scan3A_120 step %scan3A_121 iter_args(%scan3A_152 = %scan3A_117) -> (i32)  : i32 {
        %mul3A_153 = arith.constant 4 : i32
        %mul3A_154 = arith.muli %scan3A_151, %mul3A_153 : i32
        %add3A_155 = arith.constant 0 : i32
        %add3A_156 = arith.addi %mul3A_154, %add3A_155 : i32
        %mul3A_157 = arith.constant 16 : i32
        %mul3A_158 = arith.muli %add3A_156, %mul3A_157 : i32
        %add3A_159 = vector.broadcast %mul3A_158 : i32 to vector<16xi32>
        %add3A_160 = arith.addi %iota3A, %add3A_159 : vector<16xi32>
        %mul3A_161 = arith.constant 16 : i32
        %mul3A_162 = arith.muli %add3A_156, %mul3A_161 : i32
        %get3A = arith.index_cast %mul3A_162 : i32 to index
        %get3A_163 = tpu.vector_load %arg5[%get3A] {strides = array<i32>} : memref<2048xi32, #tpu.memory_space<vmem>>, vector<16xi32>,
        %add3A_164 = arith.constant 1 : i32
        %add3A_165 = vector.broadcast %add3A_164 : i32 to vector<16xi32>
        %add3A_166 = arith.addi %get3A_163, %add3A_165 : vector<16xi32>
        %sub3A_167 = vector.broadcast %sub3A_115 : i32 to vector<16xi32>
        %sub3A_168 = arith.subi %get3A_163, %sub3A_167 : vector<16xi32>
        %sub3A_169 = vector.broadcast %sub3A_115 : i32 to vector<16xi32>
        %sub3A_170 = arith.subi %add3A_166, %sub3A_169 : vector<16xi32>
        %lt3A = vector.broadcast %scan3A_116 : i32 to vector<16xi32>
        %lt3A_171 = arith.cmpi ult, %sub3A_168, %lt3A : vector<16xi32>
        %lt3A_172 = vector.broadcast %scan3A_116 : i32 to vector<16xi32>
        %lt3A_173 = arith.cmpi ult, %sub3A_170, %lt3A_172 : vector<16xi32>
        tpu.vector_store_idx %arg7[%sub3A_168, %add3A_160], %broadcast_in_dim3A_6 masked %lt3A_171 : memref<24x2048xf32, #tpu.memory_space<vmem>>[vector<16xi32>, vector<16xi32>], vector<16xf32>, vector<16xi1>
        tpu.vector_store_idx %arg7[%sub3A_170, %add3A_160], %broadcast_in_dim3A_6 masked %lt3A_173 : memref<24x2048xf32, #tpu.memory_space<vmem>>[vector<16xi32>, vector<16xi32>], vector<16xf32>, vector<16xi1>
        %sub3A_174 = vector.broadcast %mul3A_110 : i32 to vector<16xi32>
        %sub3A_175 = arith.subi %get3A_163, %sub3A_174 : vector<16xi32>
        %sub3A_176 = vector.broadcast %mul3A_110 : i32 to vector<16xi32>
        %sub3A_177 = arith.subi %add3A_166, %sub3A_176 : vector<16xi32>
        %lt3A_178 = vector.broadcast %scan3A_116 : i32 to vector<16xi32>
        %lt3A_179 = arith.cmpi ult, %sub3A_175, %lt3A_178 : vector<16xi32>
        %lt3A_180 = vector.broadcast %scan3A_116 : i32 to vector<16xi32>
        %lt3A_181 = arith.cmpi ult, %sub3A_177, %lt3A_180 : vector<16xi32>
        %mul3A_182 = arith.constant 16 : i32
        %mul3A_183 = arith.muli %add3A_156, %mul3A_182 : i32
        %get3A_184 = arith.index_cast %mul3A_183 : i32 to index
        %get3A_185 = tpu.vector_load %arg6[%get3A_184] {strides = array<i32>} : memref<2048xf32, #tpu.memory_space<vmem>>, vector<16xf32>,
        tpu.vector_store_idx %arg7[%sub3A_175, %add3A_160], %get3A_185 masked %lt3A_179 : memref<24x2048xf32, #tpu.memory_space<vmem>>[vector<16xi32>, vector<16xi32>], vector<16xf32>, vector<16xi1>
        %sub3A_186 = arith.constant 1.000000e+00 : f32
        %sub3A_187 = vector.broadcast %sub3A_186 : f32 to vector<16xf32>
        %sub3A_188 = arith.subf %sub3A_187, %get3A_185 : vector<16xf32>
        tpu.vector_store_idx %arg7[%sub3A_177, %add3A_160], %sub3A_188 masked %lt3A_181 : memref<24x2048xf32, #tpu.memory_space<vmem>>[vector<16xi32>, vector<16xi32>], vector<16xf32>, vector<16xi1>
        %mul3A_189 = arith.constant 4 : i32
        %mul3A_190 = arith.muli %scan3A_151, %mul3A_189 : i32
        %add3A_191 = arith.constant 1 : i32
        %add3A_192 = arith.addi %mul3A_190, %add3A_191 : i32
        %mul3A_193 = arith.constant 16 : i32
        %mul3A_194 = arith.muli %add3A_192, %mul3A_193 : i32
        %add3A_195 = vector.broadcast %mul3A_194 : i32 to vector<16xi32>
        %add3A_196 = arith.addi %iota3A, %add3A_195 : vector<16xi32>
        %mul3A_197 = arith.constant 16 : i32
        %mul3A_198 = arith.muli %add3A_192, %mul3A_197 : i32
        %get3A_199 = arith.index_cast %mul3A_198 : i32 to index
        %get3A_200 = tpu.vector_load %arg5[%get3A_199] {strides = array<i32>} : memref<2048xi32, #tpu.memory_space<vmem>>, vector<16xi32>,
        %add3A_201 = arith.constant 1 : i32
        %add3A_202 = vector.broadcast %add3A_201 : i32 to vector<16xi32>
        %add3A_203 = arith.addi %get3A_200, %add3A_202 : vector<16xi32>
        %sub3A_204 = vector.broadcast %sub3A_115 : i32 to vector<16xi32>
        %sub3A_205 = arith.subi %get3A_200, %sub3A_204 : vector<16xi32>
        %sub3A_206 = vector.broadcast %sub3A_115 : i32 to vector<16xi32>
        %sub3A_207 = arith.subi %add3A_203, %sub3A_206 : vector<16xi32>
        %lt3A_208 = vector.broadcast %scan3A_116 : i32 to vector<16xi32>
        %lt3A_209 = arith.cmpi ult, %sub3A_205, %lt3A_208 : vector<16xi32>
        %lt3A_210 = vector.broadcast %scan3A_116 : i32 to vector<16xi32>
        %lt3A_211 = arith.cmpi ult, %sub3A_207, %lt3A_210 : vector<16xi32>
        tpu.vector_store_idx %arg7[%sub3A_205, %add3A_196], %broadcast_in_dim3A_6 masked %lt3A_209 : memref<24x2048xf32, #tpu.memory_space<vmem>>[vector<16xi32>, vector<16xi32>], vector<16xf32>, vector<16xi1>
        tpu.vector_store_idx %arg7[%sub3A_207, %add3A_196], %broadcast_in_dim3A_6 masked %lt3A_211 : memref<24x2048xf32, #tpu.memory_space<vmem>>[vector<16xi32>, vector<16xi32>], vector<16xf32>, vector<16xi1>
        %sub3A_212 = vector.broadcast %mul3A_110 : i32 to vector<16xi32>
        %sub3A_213 = arith.subi %get3A_200, %sub3A_212 : vector<16xi32>
        %sub3A_214 = vector.broadcast %mul3A_110 : i32 to vector<16xi32>
        %sub3A_215 = arith.subi %add3A_203, %sub3A_214 : vector<16xi32>
        %lt3A_216 = vector.broadcast %scan3A_116 : i32 to vector<16xi32>
        %lt3A_217 = arith.cmpi ult, %sub3A_213, %lt3A_216 : vector<16xi32>
        %lt3A_218 = vector.broadcast %scan3A_116 : i32 to vector<16xi32>
        %lt3A_219 = arith.cmpi ult, %sub3A_215, %lt3A_218 : vector<16xi32>
        %mul3A_220 = arith.constant 16 : i32
        %mul3A_221 = arith.muli %add3A_192, %mul3A_220 : i32
        %get3A_222 = arith.index_cast %mul3A_221 : i32 to index
        %get3A_223 = tpu.vector_load %arg6[%get3A_222] {strides = array<i32>} : memref<2048xf32, #tpu.memory_space<vmem>>, vector<16xf32>,
        tpu.vector_store_idx %arg7[%sub3A_213, %add3A_196], %get3A_223 masked %lt3A_217 : memref<24x2048xf32, #tpu.memory_space<vmem>>[vector<16xi32>, vector<16xi32>], vector<16xf32>, vector<16xi1>
        %sub3A_224 = arith.constant 1.000000e+00 : f32
        %sub3A_225 = vector.broadcast %sub3A_224 : f32 to vector<16xf32>
        %sub3A_226 = arith.subf %sub3A_225, %get3A_223 : vector<16xf32>
        tpu.vector_store_idx %arg7[%sub3A_215, %add3A_196], %sub3A_226 masked %lt3A_219 : memref<24x2048xf32, #tpu.memory_space<vmem>>[vector<16xi32>, vector<16xi32>], vector<16xf32>, vector<16xi1>
        %mul3A_227 = arith.constant 4 : i32
        %mul3A_228 = arith.muli %scan3A_151, %mul3A_227 : i32
        %add3A_229 = arith.constant 2 : i32
        %add3A_230 = arith.addi %mul3A_228, %add3A_229 : i32
        %mul3A_231 = arith.constant 16 : i32
        %mul3A_232 = arith.muli %add3A_230, %mul3A_231 : i32
        %add3A_233 = vector.broadcast %mul3A_232 : i32 to vector<16xi32>
        %add3A_234 = arith.addi %iota3A, %add3A_233 : vector<16xi32>
        %mul3A_235 = arith.constant 16 : i32
        %mul3A_236 = arith.muli %add3A_230, %mul3A_235 : i32
        %get3A_237 = arith.index_cast %mul3A_236 : i32 to index
        %get3A_238 = tpu.vector_load %arg5[%get3A_237] {strides = array<i32>} : memref<2048xi32, #tpu.memory_space<vmem>>, vector<16xi32>,
        %add3A_239 = arith.constant 1 : i32
        %add3A_240 = vector.broadcast %add3A_239 : i32 to vector<16xi32>
        %add3A_241 = arith.addi %get3A_238, %add3A_240 : vector<16xi32>
        %sub3A_242 = vector.broadcast %sub3A_115 : i32 to vector<16xi32>
        %sub3A_243 = arith.subi %get3A_238, %sub3A_242 : vector<16xi32>
        %sub3A_244 = vector.broadcast %sub3A_115 : i32 to vector<16xi32>
        %sub3A_245 = arith.subi %add3A_241, %sub3A_244 : vector<16xi32>
        %lt3A_246 = vector.broadcast %scan3A_116 : i32 to vector<16xi32>
        %lt3A_247 = arith.cmpi ult, %sub3A_243, %lt3A_246 : vector<16xi32>
        %lt3A_248 = vector.broadcast %scan3A_116 : i32 to vector<16xi32>
        %lt3A_249 = arith.cmpi ult, %sub3A_245, %lt3A_248 : vector<16xi32>
        tpu.vector_store_idx %arg7[%sub3A_243, %add3A_234], %broadcast_in_dim3A_6 masked %lt3A_247 : memref<24x2048xf32, #tpu.memory_space<vmem>>[vector<16xi32>, vector<16xi32>], vector<16xf32>, vector<16xi1>
        tpu.vector_store_idx %arg7[%sub3A_245, %add3A_234], %broadcast_in_dim3A_6 masked %lt3A_249 : memref<24x2048xf32, #tpu.memory_space<vmem>>[vector<16xi32>, vector<16xi32>], vector<16xf32>, vector<16xi1>
        %sub3A_250 = vector.broadcast %mul3A_110 : i32 to vector<16xi32>
        %sub3A_251 = arith.subi %get3A_238, %sub3A_250 : vector<16xi32>
        %sub3A_252 = vector.broadcast %mul3A_110 : i32 to vector<16xi32>
        %sub3A_253 = arith.subi %add3A_241, %sub3A_252 : vector<16xi32>
        %lt3A_254 = vector.broadcast %scan3A_116 : i32 to vector<16xi32>
        %lt3A_255 = arith.cmpi ult, %sub3A_251, %lt3A_254 : vector<16xi32>
        %lt3A_256 = vector.broadcast %scan3A_116 : i32 to vector<16xi32>
        %lt3A_257 = arith.cmpi ult, %sub3A_253, %lt3A_256 : vector<16xi32>
        %mul3A_258 = arith.constant 16 : i32
        %mul3A_259 = arith.muli %add3A_230, %mul3A_258 : i32
        %get3A_260 = arith.index_cast %mul3A_259 : i32 to index
        %get3A_261 = tpu.vector_load %arg6[%get3A_260] {strides = array<i32>} : memref<2048xf32, #tpu.memory_space<vmem>>, vector<16xf32>,
        tpu.vector_store_idx %arg7[%sub3A_251, %add3A_234], %get3A_261 masked %lt3A_255 : memref<24x2048xf32, #tpu.memory_space<vmem>>[vector<16xi32>, vector<16xi32>], vector<16xf32>, vector<16xi1>
        %sub3A_262 = arith.constant 1.000000e+00 : f32
        %sub3A_263 = vector.broadcast %sub3A_262 : f32 to vector<16xf32>
        %sub3A_264 = arith.subf %sub3A_263, %get3A_261 : vector<16xf32>
        tpu.vector_store_idx %arg7[%sub3A_253, %add3A_234], %sub3A_264 masked %lt3A_257 : memref<24x2048xf32, #tpu.memory_space<vmem>>[vector<16xi32>, vector<16xi32>], vector<16xf32>, vector<16xi1>
        %mul3A_265 = arith.constant 4 : i32
        %mul3A_266 = arith.muli %scan3A_151, %mul3A_265 : i32
        %add3A_267 = arith.constant 3 : i32
        %add3A_268 = arith.addi %mul3A_266, %add3A_267 : i32
        %mul3A_269 = arith.constant 16 : i32
        %mul3A_270 = arith.muli %add3A_268, %mul3A_269 : i32
        %add3A_271 = vector.broadcast %mul3A_270 : i32 to vector<16xi32>
        %add3A_272 = arith.addi %iota3A, %add3A_271 : vector<16xi32>
        %mul3A_273 = arith.constant 16 : i32
        %mul3A_274 = arith.muli %add3A_268, %mul3A_273 : i32
        %get3A_275 = arith.index_cast %mul3A_274 : i32 to index
        %get3A_276 = tpu.vector_load %arg5[%get3A_275] {strides = array<i32>} : memref<2048xi32, #tpu.memory_space<vmem>>, vector<16xi32>,
        %add3A_277 = arith.constant 1 : i32
        %add3A_278 = vector.broadcast %add3A_277 : i32 to vector<16xi32>
        %add3A_279 = arith.addi %get3A_276, %add3A_278 : vector<16xi32>
        %sub3A_280 = vector.broadcast %sub3A_115 : i32 to vector<16xi32>
        %sub3A_281 = arith.subi %get3A_276, %sub3A_280 : vector<16xi32>
        %sub3A_282 = vector.broadcast %sub3A_115 : i32 to vector<16xi32>
        %sub3A_283 = arith.subi %add3A_279, %sub3A_282 : vector<16xi32>
        %lt3A_284 = vector.broadcast %scan3A_116 : i32 to vector<16xi32>
        %lt3A_285 = arith.cmpi ult, %sub3A_281, %lt3A_284 : vector<16xi32>
        %lt3A_286 = vector.broadcast %scan3A_116 : i32 to vector<16xi32>
        %lt3A_287 = arith.cmpi ult, %sub3A_283, %lt3A_286 : vector<16xi32>
        tpu.vector_store_idx %arg7[%sub3A_281, %add3A_272], %broadcast_in_dim3A_6 masked %lt3A_285 : memref<24x2048xf32, #tpu.memory_space<vmem>>[vector<16xi32>, vector<16xi32>], vector<16xf32>, vector<16xi1>
        tpu.vector_store_idx %arg7[%sub3A_283, %add3A_272], %broadcast_in_dim3A_6 masked %lt3A_287 : memref<24x2048xf32, #tpu.memory_space<vmem>>[vector<16xi32>, vector<16xi32>], vector<16xf32>, vector<16xi1>
        %sub3A_288 = vector.broadcast %mul3A_110 : i32 to vector<16xi32>
        %sub3A_289 = arith.subi %get3A_276, %sub3A_288 : vector<16xi32>
        %sub3A_290 = vector.broadcast %mul3A_110 : i32 to vector<16xi32>
        %sub3A_291 = arith.subi %add3A_279, %sub3A_290 : vector<16xi32>
        %lt3A_292 = vector.broadcast %scan3A_116 : i32 to vector<16xi32>
        %lt3A_293 = arith.cmpi ult, %sub3A_289, %lt3A_292 : vector<16xi32>
        %lt3A_294 = vector.broadcast %scan3A_116 : i32 to vector<16xi32>
        %lt3A_295 = arith.cmpi ult, %sub3A_291, %lt3A_294 : vector<16xi32>
        %mul3A_296 = arith.constant 16 : i32
        %mul3A_297 = arith.muli %add3A_268, %mul3A_296 : i32
        %get3A_298 = arith.index_cast %mul3A_297 : i32 to index
        %get3A_299 = tpu.vector_load %arg6[%get3A_298] {strides = array<i32>} : memref<2048xf32, #tpu.memory_space<vmem>>, vector<16xf32>,
        tpu.vector_store_idx %arg7[%sub3A_289, %add3A_272], %get3A_299 masked %lt3A_293 : memref<24x2048xf32, #tpu.memory_space<vmem>>[vector<16xi32>, vector<16xi32>], vector<16xf32>, vector<16xi1>
        %sub3A_300 = arith.constant 1.000000e+00 : f32
        %sub3A_301 = vector.broadcast %sub3A_300 : f32 to vector<16xf32>
        %sub3A_302 = arith.subf %sub3A_301, %get3A_299 : vector<16xf32>
        tpu.vector_store_idx %arg7[%sub3A_291, %add3A_272], %sub3A_302 masked %lt3A_295 : memref<24x2048xf32, #tpu.memory_space<vmem>>[vector<16xi32>, vector<16xi32>], vector<16xf32>, vector<16xi1>
        %scan3A_303 = arith.constant 0 : i32
        scf.yield %scan3A_303 : i32
      }
      %scan3A_123 = arith.constant 32 : i32
      %dma_start3A_124 = tpu.memref_slice %arg4[%mul3A_110, %mul3A_2] : memref<601x65536xf32, #tpu.memory_space<hbm>> -> memref<24x2048xf32, #tpu.memory_space<hbm>>
      %dma_start3A_125 = tpu.memref_slice %arg4[%mul3A_110, %mul3A_2] : memref<601x65536xf32, #tpu.memory_space<hbm>> -> memref<24x2048xf32, #tpu.memory_space<hbm>>
      tpu.enqueue_dma source(%arg7 : memref<24x2048xf32, #tpu.memory_space<vmem>>) target(%dma_start3A_125 : memref<24x2048xf32, #tpu.memory_space<hbm>>) target_semaphore(%arg10 : memref<!tpu.dma_semaphore, #tpu.memory_space<semaphore_mem>>)
      %mul3A_126 = arith.constant 2 : i32
      %mul3A_127 = arith.muli %scan3A_101, %mul3A_126 : i32
      %add3A_128 = arith.constant 2 : i32
      %add3A_129 = arith.addi %add3A_128, %mul3A_127 : i32
      %add3A_130 = arith.constant 1 : i32
      %add3A_131 = arith.addi %add3A_129, %add3A_130 : i32
      %mul3A_132 = arith.constant 24 : i32
      %mul3A_133 = arith.muli %add3A_131, %mul3A_132 : i32
      %dma_wait3A_134 = arith.constant 0 : i32
      %dma_wait3A_135 = tpu.memref_slice %arg4[%dma_wait3A_134, %mul3A_2] : memref<601x65536xf32, #tpu.memory_space<hbm>> -> memref<24x2048xf32, #tpu.memory_space<hbm>>
      %dma_wait3A_136 = arith.constant 0 : i32
      %dma_wait3A_137 = tpu.memref_slice %arg4[%dma_wait3A_136, %mul3A_2] : memref<601x65536xf32, #tpu.memory_space<hbm>> -> memref<24x2048xf32, #tpu.memory_space<hbm>>
      tpu.wait_dma2 semaphore(%arg10 : memref<!tpu.dma_semaphore, #tpu.memory_space<semaphore_mem>>) src(%arg7 : memref<24x2048xf32, #tpu.memory_space<vmem>>) dst(%dma_wait3A_137 : memref<24x2048xf32, #tpu.memory_space<hbm>>)
      %sub3A_138 = arith.constant 48 : i32
      %sub3A_139 = arith.subi %mul3A_133, %sub3A_138 : i32
      %scan3A_140 = arith.constant 24 : i32
      %scan3A_141 = arith.constant 0 : i32
      %scan3A_142 = arith.constant 0 : i32
      %scan3A_143 = arith.constant 32 : i32
      %scan3A_144 = arith.addi %scan3A_142, %scan3A_143 : i32
      %scan3A_145 = arith.constant 1 : i32
      %scan3A_146 = scf.for %scan3A_151 = %scan3A_142 to %scan3A_144 step %scan3A_145 iter_args(%scan3A_152 = %scan3A_141) -> (i32)  : i32 {
        %mul3A_153 = arith.constant 4 : i32
        %mul3A_154 = arith.muli %scan3A_151, %mul3A_153 : i32
        %add3A_155 = arith.constant 0 : i32
        %add3A_156 = arith.addi %mul3A_154, %add3A_155 : i32
        %mul3A_157 = arith.constant 16 : i32
        %mul3A_158 = arith.muli %add3A_156, %mul3A_157 : i32
        %add3A_159 = vector.broadcast %mul3A_158 : i32 to vector<16xi32>
        %add3A_160 = arith.addi %iota3A, %add3A_159 : vector<16xi32>
        %mul3A_161 = arith.constant 16 : i32
        %mul3A_162 = arith.muli %add3A_156, %mul3A_161 : i32
        %get3A = arith.index_cast %mul3A_162 : i32 to index
        %get3A_163 = tpu.vector_load %arg5[%get3A] {strides = array<i32>} : memref<2048xi32, #tpu.memory_space<vmem>>, vector<16xi32>,
        %add3A_164 = arith.constant 1 : i32
        %add3A_165 = vector.broadcast %add3A_164 : i32 to vector<16xi32>
        %add3A_166 = arith.addi %get3A_163, %add3A_165 : vector<16xi32>
        %sub3A_167 = vector.broadcast %sub3A_139 : i32 to vector<16xi32>
        %sub3A_168 = arith.subi %get3A_163, %sub3A_167 : vector<16xi32>
        %sub3A_169 = vector.broadcast %sub3A_139 : i32 to vector<16xi32>
        %sub3A_170 = arith.subi %add3A_166, %sub3A_169 : vector<16xi32>
        %lt3A = vector.broadcast %scan3A_140 : i32 to vector<16xi32>
        %lt3A_171 = arith.cmpi ult, %sub3A_168, %lt3A : vector<16xi32>
        %lt3A_172 = vector.broadcast %scan3A_140 : i32 to vector<16xi32>
        %lt3A_173 = arith.cmpi ult, %sub3A_170, %lt3A_172 : vector<16xi32>
        tpu.vector_store_idx %arg8[%sub3A_168, %add3A_160], %broadcast_in_dim3A_6 masked %lt3A_171 : memref<24x2048xf32, #tpu.memory_space<vmem>>[vector<16xi32>, vector<16xi32>], vector<16xf32>, vector<16xi1>
        tpu.vector_store_idx %arg8[%sub3A_170, %add3A_160], %broadcast_in_dim3A_6 masked %lt3A_173 : memref<24x2048xf32, #tpu.memory_space<vmem>>[vector<16xi32>, vector<16xi32>], vector<16xf32>, vector<16xi1>
        %sub3A_174 = vector.broadcast %mul3A_133 : i32 to vector<16xi32>
        %sub3A_175 = arith.subi %get3A_163, %sub3A_174 : vector<16xi32>
        %sub3A_176 = vector.broadcast %mul3A_133 : i32 to vector<16xi32>
        %sub3A_177 = arith.subi %add3A_166, %sub3A_176 : vector<16xi32>
        %lt3A_178 = vector.broadcast %scan3A_140 : i32 to vector<16xi32>
        %lt3A_179 = arith.cmpi ult, %sub3A_175, %lt3A_178 : vector<16xi32>
        %lt3A_180 = vector.broadcast %scan3A_140 : i32 to vector<16xi32>
        %lt3A_181 = arith.cmpi ult, %sub3A_177, %lt3A_180 : vector<16xi32>
        %mul3A_182 = arith.constant 16 : i32
        %mul3A_183 = arith.muli %add3A_156, %mul3A_182 : i32
        %get3A_184 = arith.index_cast %mul3A_183 : i32 to index
        %get3A_185 = tpu.vector_load %arg6[%get3A_184] {strides = array<i32>} : memref<2048xf32, #tpu.memory_space<vmem>>, vector<16xf32>,
        tpu.vector_store_idx %arg8[%sub3A_175, %add3A_160], %get3A_185 masked %lt3A_179 : memref<24x2048xf32, #tpu.memory_space<vmem>>[vector<16xi32>, vector<16xi32>], vector<16xf32>, vector<16xi1>
        %sub3A_186 = arith.constant 1.000000e+00 : f32
        %sub3A_187 = vector.broadcast %sub3A_186 : f32 to vector<16xf32>
        %sub3A_188 = arith.subf %sub3A_187, %get3A_185 : vector<16xf32>
        tpu.vector_store_idx %arg8[%sub3A_177, %add3A_160], %sub3A_188 masked %lt3A_181 : memref<24x2048xf32, #tpu.memory_space<vmem>>[vector<16xi32>, vector<16xi32>], vector<16xf32>, vector<16xi1>
        %mul3A_189 = arith.constant 4 : i32
        %mul3A_190 = arith.muli %scan3A_151, %mul3A_189 : i32
        %add3A_191 = arith.constant 1 : i32
        %add3A_192 = arith.addi %mul3A_190, %add3A_191 : i32
        %mul3A_193 = arith.constant 16 : i32
        %mul3A_194 = arith.muli %add3A_192, %mul3A_193 : i32
        %add3A_195 = vector.broadcast %mul3A_194 : i32 to vector<16xi32>
        %add3A_196 = arith.addi %iota3A, %add3A_195 : vector<16xi32>
        %mul3A_197 = arith.constant 16 : i32
        %mul3A_198 = arith.muli %add3A_192, %mul3A_197 : i32
        %get3A_199 = arith.index_cast %mul3A_198 : i32 to index
        %get3A_200 = tpu.vector_load %arg5[%get3A_199] {strides = array<i32>} : memref<2048xi32, #tpu.memory_space<vmem>>, vector<16xi32>,
        %add3A_201 = arith.constant 1 : i32
        %add3A_202 = vector.broadcast %add3A_201 : i32 to vector<16xi32>
        %add3A_203 = arith.addi %get3A_200, %add3A_202 : vector<16xi32>
        %sub3A_204 = vector.broadcast %sub3A_139 : i32 to vector<16xi32>
        %sub3A_205 = arith.subi %get3A_200, %sub3A_204 : vector<16xi32>
        %sub3A_206 = vector.broadcast %sub3A_139 : i32 to vector<16xi32>
        %sub3A_207 = arith.subi %add3A_203, %sub3A_206 : vector<16xi32>
        %lt3A_208 = vector.broadcast %scan3A_140 : i32 to vector<16xi32>
        %lt3A_209 = arith.cmpi ult, %sub3A_205, %lt3A_208 : vector<16xi32>
        %lt3A_210 = vector.broadcast %scan3A_140 : i32 to vector<16xi32>
        %lt3A_211 = arith.cmpi ult, %sub3A_207, %lt3A_210 : vector<16xi32>
        tpu.vector_store_idx %arg8[%sub3A_205, %add3A_196], %broadcast_in_dim3A_6 masked %lt3A_209 : memref<24x2048xf32, #tpu.memory_space<vmem>>[vector<16xi32>, vector<16xi32>], vector<16xf32>, vector<16xi1>
        tpu.vector_store_idx %arg8[%sub3A_207, %add3A_196], %broadcast_in_dim3A_6 masked %lt3A_211 : memref<24x2048xf32, #tpu.memory_space<vmem>>[vector<16xi32>, vector<16xi32>], vector<16xf32>, vector<16xi1>
        %sub3A_212 = vector.broadcast %mul3A_133 : i32 to vector<16xi32>
        %sub3A_213 = arith.subi %get3A_200, %sub3A_212 : vector<16xi32>
        %sub3A_214 = vector.broadcast %mul3A_133 : i32 to vector<16xi32>
        %sub3A_215 = arith.subi %add3A_203, %sub3A_214 : vector<16xi32>
        %lt3A_216 = vector.broadcast %scan3A_140 : i32 to vector<16xi32>
        %lt3A_217 = arith.cmpi ult, %sub3A_213, %lt3A_216 : vector<16xi32>
        %lt3A_218 = vector.broadcast %scan3A_140 : i32 to vector<16xi32>
        %lt3A_219 = arith.cmpi ult, %sub3A_215, %lt3A_218 : vector<16xi32>
        %mul3A_220 = arith.constant 16 : i32
        %mul3A_221 = arith.muli %add3A_192, %mul3A_220 : i32
        %get3A_222 = arith.index_cast %mul3A_221 : i32 to index
        %get3A_223 = tpu.vector_load %arg6[%get3A_222] {strides = array<i32>} : memref<2048xf32, #tpu.memory_space<vmem>>, vector<16xf32>,
        tpu.vector_store_idx %arg8[%sub3A_213, %add3A_196], %get3A_223 masked %lt3A_217 : memref<24x2048xf32, #tpu.memory_space<vmem>>[vector<16xi32>, vector<16xi32>], vector<16xf32>, vector<16xi1>
        %sub3A_224 = arith.constant 1.000000e+00 : f32
        %sub3A_225 = vector.broadcast %sub3A_224 : f32 to vector<16xf32>
        %sub3A_226 = arith.subf %sub3A_225, %get3A_223 : vector<16xf32>
        tpu.vector_store_idx %arg8[%sub3A_215, %add3A_196], %sub3A_226 masked %lt3A_219 : memref<24x2048xf32, #tpu.memory_space<vmem>>[vector<16xi32>, vector<16xi32>], vector<16xf32>, vector<16xi1>
        %mul3A_227 = arith.constant 4 : i32
        %mul3A_228 = arith.muli %scan3A_151, %mul3A_227 : i32
        %add3A_229 = arith.constant 2 : i32
        %add3A_230 = arith.addi %mul3A_228, %add3A_229 : i32
        %mul3A_231 = arith.constant 16 : i32
        %mul3A_232 = arith.muli %add3A_230, %mul3A_231 : i32
        %add3A_233 = vector.broadcast %mul3A_232 : i32 to vector<16xi32>
        %add3A_234 = arith.addi %iota3A, %add3A_233 : vector<16xi32>
        %mul3A_235 = arith.constant 16 : i32
        %mul3A_236 = arith.muli %add3A_230, %mul3A_235 : i32
        %get3A_237 = arith.index_cast %mul3A_236 : i32 to index
        %get3A_238 = tpu.vector_load %arg5[%get3A_237] {strides = array<i32>} : memref<2048xi32, #tpu.memory_space<vmem>>, vector<16xi32>,
        %add3A_239 = arith.constant 1 : i32
        %add3A_240 = vector.broadcast %add3A_239 : i32 to vector<16xi32>
        %add3A_241 = arith.addi %get3A_238, %add3A_240 : vector<16xi32>
        %sub3A_242 = vector.broadcast %sub3A_139 : i32 to vector<16xi32>
        %sub3A_243 = arith.subi %get3A_238, %sub3A_242 : vector<16xi32>
        %sub3A_244 = vector.broadcast %sub3A_139 : i32 to vector<16xi32>
        %sub3A_245 = arith.subi %add3A_241, %sub3A_244 : vector<16xi32>
        %lt3A_246 = vector.broadcast %scan3A_140 : i32 to vector<16xi32>
        %lt3A_247 = arith.cmpi ult, %sub3A_243, %lt3A_246 : vector<16xi32>
        %lt3A_248 = vector.broadcast %scan3A_140 : i32 to vector<16xi32>
        %lt3A_249 = arith.cmpi ult, %sub3A_245, %lt3A_248 : vector<16xi32>
        tpu.vector_store_idx %arg8[%sub3A_243, %add3A_234], %broadcast_in_dim3A_6 masked %lt3A_247 : memref<24x2048xf32, #tpu.memory_space<vmem>>[vector<16xi32>, vector<16xi32>], vector<16xf32>, vector<16xi1>
        tpu.vector_store_idx %arg8[%sub3A_245, %add3A_234], %broadcast_in_dim3A_6 masked %lt3A_249 : memref<24x2048xf32, #tpu.memory_space<vmem>>[vector<16xi32>, vector<16xi32>], vector<16xf32>, vector<16xi1>
        %sub3A_250 = vector.broadcast %mul3A_133 : i32 to vector<16xi32>
        %sub3A_251 = arith.subi %get3A_238, %sub3A_250 : vector<16xi32>
        %sub3A_252 = vector.broadcast %mul3A_133 : i32 to vector<16xi32>
        %sub3A_253 = arith.subi %add3A_241, %sub3A_252 : vector<16xi32>
        %lt3A_254 = vector.broadcast %scan3A_140 : i32 to vector<16xi32>
        %lt3A_255 = arith.cmpi ult, %sub3A_251, %lt3A_254 : vector<16xi32>
        %lt3A_256 = vector.broadcast %scan3A_140 : i32 to vector<16xi32>
        %lt3A_257 = arith.cmpi ult, %sub3A_253, %lt3A_256 : vector<16xi32>
        %mul3A_258 = arith.constant 16 : i32
        %mul3A_259 = arith.muli %add3A_230, %mul3A_258 : i32
        %get3A_260 = arith.index_cast %mul3A_259 : i32 to index
        %get3A_261 = tpu.vector_load %arg6[%get3A_260] {strides = array<i32>} : memref<2048xf32, #tpu.memory_space<vmem>>, vector<16xf32>,
        tpu.vector_store_idx %arg8[%sub3A_251, %add3A_234], %get3A_261 masked %lt3A_255 : memref<24x2048xf32, #tpu.memory_space<vmem>>[vector<16xi32>, vector<16xi32>], vector<16xf32>, vector<16xi1>
        %sub3A_262 = arith.constant 1.000000e+00 : f32
        %sub3A_263 = vector.broadcast %sub3A_262 : f32 to vector<16xf32>
        %sub3A_264 = arith.subf %sub3A_263, %get3A_261 : vector<16xf32>
        tpu.vector_store_idx %arg8[%sub3A_253, %add3A_234], %sub3A_264 masked %lt3A_257 : memref<24x2048xf32, #tpu.memory_space<vmem>>[vector<16xi32>, vector<16xi32>], vector<16xf32>, vector<16xi1>
        %mul3A_265 = arith.constant 4 : i32
        %mul3A_266 = arith.muli %scan3A_151, %mul3A_265 : i32
        %add3A_267 = arith.constant 3 : i32
        %add3A_268 = arith.addi %mul3A_266, %add3A_267 : i32
        %mul3A_269 = arith.constant 16 : i32
        %mul3A_270 = arith.muli %add3A_268, %mul3A_269 : i32
        %add3A_271 = vector.broadcast %mul3A_270 : i32 to vector<16xi32>
        %add3A_272 = arith.addi %iota3A, %add3A_271 : vector<16xi32>
        %mul3A_273 = arith.constant 16 : i32
        %mul3A_274 = arith.muli %add3A_268, %mul3A_273 : i32
        %get3A_275 = arith.index_cast %mul3A_274 : i32 to index
        %get3A_276 = tpu.vector_load %arg5[%get3A_275] {strides = array<i32>} : memref<2048xi32, #tpu.memory_space<vmem>>, vector<16xi32>,
        %add3A_277 = arith.constant 1 : i32
        %add3A_278 = vector.broadcast %add3A_277 : i32 to vector<16xi32>
        %add3A_279 = arith.addi %get3A_276, %add3A_278 : vector<16xi32>
        %sub3A_280 = vector.broadcast %sub3A_139 : i32 to vector<16xi32>
        %sub3A_281 = arith.subi %get3A_276, %sub3A_280 : vector<16xi32>
        %sub3A_282 = vector.broadcast %sub3A_139 : i32 to vector<16xi32>
        %sub3A_283 = arith.subi %add3A_279, %sub3A_282 : vector<16xi32>
        %lt3A_284 = vector.broadcast %scan3A_140 : i32 to vector<16xi32>
        %lt3A_285 = arith.cmpi ult, %sub3A_281, %lt3A_284 : vector<16xi32>
        %lt3A_286 = vector.broadcast %scan3A_140 : i32 to vector<16xi32>
        %lt3A_287 = arith.cmpi ult, %sub3A_283, %lt3A_286 : vector<16xi32>
        tpu.vector_store_idx %arg8[%sub3A_281, %add3A_272], %broadcast_in_dim3A_6 masked %lt3A_285 : memref<24x2048xf32, #tpu.memory_space<vmem>>[vector<16xi32>, vector<16xi32>], vector<16xf32>, vector<16xi1>
        tpu.vector_store_idx %arg8[%sub3A_283, %add3A_272], %broadcast_in_dim3A_6 masked %lt3A_287 : memref<24x2048xf32, #tpu.memory_space<vmem>>[vector<16xi32>, vector<16xi32>], vector<16xf32>, vector<16xi1>
        %sub3A_288 = vector.broadcast %mul3A_133 : i32 to vector<16xi32>
        %sub3A_289 = arith.subi %get3A_276, %sub3A_288 : vector<16xi32>
        %sub3A_290 = vector.broadcast %mul3A_133 : i32 to vector<16xi32>
        %sub3A_291 = arith.subi %add3A_279, %sub3A_290 : vector<16xi32>
        %lt3A_292 = vector.broadcast %scan3A_140 : i32 to vector<16xi32>
        %lt3A_293 = arith.cmpi ult, %sub3A_289, %lt3A_292 : vector<16xi32>
        %lt3A_294 = vector.broadcast %scan3A_140 : i32 to vector<16xi32>
        %lt3A_295 = arith.cmpi ult, %sub3A_291, %lt3A_294 : vector<16xi32>
        %mul3A_296 = arith.constant 16 : i32
        %mul3A_297 = arith.muli %add3A_268, %mul3A_296 : i32
        %get3A_298 = arith.index_cast %mul3A_297 : i32 to index
        %get3A_299 = tpu.vector_load %arg6[%get3A_298] {strides = array<i32>} : memref<2048xf32, #tpu.memory_space<vmem>>, vector<16xf32>,
        tpu.vector_store_idx %arg8[%sub3A_289, %add3A_272], %get3A_299 masked %lt3A_293 : memref<24x2048xf32, #tpu.memory_space<vmem>>[vector<16xi32>, vector<16xi32>], vector<16xf32>, vector<16xi1>
        %sub3A_300 = arith.constant 1.000000e+00 : f32
        %sub3A_301 = vector.broadcast %sub3A_300 : f32 to vector<16xf32>
        %sub3A_302 = arith.subf %sub3A_301, %get3A_299 : vector<16xf32>
        tpu.vector_store_idx %arg8[%sub3A_291, %add3A_272], %sub3A_302 masked %lt3A_295 : memref<24x2048xf32, #tpu.memory_space<vmem>>[vector<16xi32>, vector<16xi32>], vector<16xf32>, vector<16xi1>
        %scan3A_303 = arith.constant 0 : i32
        scf.yield %scan3A_303 : i32
      }
      %scan3A_147 = arith.constant 32 : i32
      %dma_start3A_148 = tpu.memref_slice %arg4[%mul3A_133, %mul3A_2] : memref<601x65536xf32, #tpu.memory_space<hbm>> -> memref<24x2048xf32, #tpu.memory_space<hbm>>
      %dma_start3A_149 = tpu.memref_slice %arg4[%mul3A_133, %mul3A_2] : memref<601x65536xf32, #tpu.memory_space<hbm>> -> memref<24x2048xf32, #tpu.memory_space<hbm>>
      tpu.enqueue_dma source(%arg8 : memref<24x2048xf32, #tpu.memory_space<vmem>>) target(%dma_start3A_149 : memref<24x2048xf32, #tpu.memory_space<hbm>>) target_semaphore(%arg10 : memref<!tpu.dma_semaphore, #tpu.memory_space<semaphore_mem>>)
      %scan3A_150 = arith.constant 0 : i32
      scf.yield %scan3A_150 : i32
    }
    %scan3A_48 = arith.constant 11 : i32
    %dma_wait3A_49 = arith.constant 0 : i32
    %dma_wait3A_50 = tpu.memref_slice %arg4[%dma_wait3A_49, %mul3A_2] : memref<601x65536xf32, #tpu.memory_space<hbm>> -> memref<24x2048xf32, #tpu.memory_space<hbm>>
    %dma_wait3A_51 = arith.constant 0 : i32
    %dma_wait3A_52 = tpu.memref_slice %arg4[%dma_wait3A_51, %mul3A_2] : memref<601x65536xf32, #tpu.memory_space<hbm>> -> memref<24x2048xf32, #tpu.memory_space<hbm>>
    tpu.wait_dma2 semaphore(%arg10 : memref<!tpu.dma_semaphore, #tpu.memory_space<semaphore_mem>>) src(%arg7 : memref<24x2048xf32, #tpu.memory_space<vmem>>) dst(%dma_wait3A_52 : memref<24x2048xf32, #tpu.memory_space<hbm>>)
    %scan3A_53 = arith.constant 528 : i32
    %scan3A_54 = arith.constant 24 : i32
    %scan3A_55 = arith.constant 576 : i32
    %scan3A_56 = arith.constant 0 : i32
    %scan3A_57 = arith.constant 0 : i32
    %scan3A_58 = arith.constant 32 : i32
    %scan3A_59 = arith.addi %scan3A_57, %scan3A_58 : i32
    %scan3A_60 = arith.constant 1 : i32
    %scan3A_61 = scf.for %scan3A_101 = %scan3A_57 to %scan3A_59 step %scan3A_60 iter_args(%scan3A_102 = %scan3A_56) -> (i32)  : i32 {
      %mul3A_103 = arith.constant 4 : i32
      %mul3A_104 = arith.muli %scan3A_101, %mul3A_103 : i32
      %add3A_105 = arith.constant 0 : i32
      %add3A_106 = arith.addi %mul3A_104, %add3A_105 : i32
      %mul3A_107 = arith.constant 16 : i32
      %mul3A_108 = arith.muli %add3A_106, %mul3A_107 : i32
      %add3A_109 = vector.broadcast %mul3A_108 : i32 to vector<16xi32>
      %add3A_110 = arith.addi %iota3A, %add3A_109 : vector<16xi32>
      %mul3A_111 = arith.constant 16 : i32
      %mul3A_112 = arith.muli %add3A_106, %mul3A_111 : i32
      %get3A = arith.index_cast %mul3A_112 : i32 to index
      %get3A_113 = tpu.vector_load %arg5[%get3A] {strides = array<i32>} : memref<2048xi32, #tpu.memory_space<vmem>>, vector<16xi32>,
      %add3A_114 = arith.constant 1 : i32
      %add3A_115 = vector.broadcast %add3A_114 : i32 to vector<16xi32>
      %add3A_116 = arith.addi %get3A_113, %add3A_115 : vector<16xi32>
      %sub3A = vector.broadcast %scan3A_53 : i32 to vector<16xi32>
      %sub3A_117 = arith.subi %get3A_113, %sub3A : vector<16xi32>
      %sub3A_118 = vector.broadcast %scan3A_53 : i32 to vector<16xi32>
      %sub3A_119 = arith.subi %add3A_116, %sub3A_118 : vector<16xi32>
      %lt3A = vector.broadcast %scan3A_54 : i32 to vector<16xi32>
      %lt3A_120 = arith.cmpi ult, %sub3A_117, %lt3A : vector<16xi32>
      %lt3A_121 = vector.broadcast %scan3A_54 : i32 to vector<16xi32>
      %lt3A_122 = arith.cmpi ult, %sub3A_119, %lt3A_121 : vector<16xi32>
      tpu.vector_store_idx %arg7[%sub3A_117, %add3A_110], %broadcast_in_dim3A_6 masked %lt3A_120 : memref<24x2048xf32, #tpu.memory_space<vmem>>[vector<16xi32>, vector<16xi32>], vector<16xf32>, vector<16xi1>
      tpu.vector_store_idx %arg7[%sub3A_119, %add3A_110], %broadcast_in_dim3A_6 masked %lt3A_122 : memref<24x2048xf32, #tpu.memory_space<vmem>>[vector<16xi32>, vector<16xi32>], vector<16xf32>, vector<16xi1>
      %sub3A_123 = vector.broadcast %scan3A_55 : i32 to vector<16xi32>
      %sub3A_124 = arith.subi %get3A_113, %sub3A_123 : vector<16xi32>
      %sub3A_125 = vector.broadcast %scan3A_55 : i32 to vector<16xi32>
      %sub3A_126 = arith.subi %add3A_116, %sub3A_125 : vector<16xi32>
      %lt3A_127 = vector.broadcast %scan3A_54 : i32 to vector<16xi32>
      %lt3A_128 = arith.cmpi ult, %sub3A_124, %lt3A_127 : vector<16xi32>
      %lt3A_129 = vector.broadcast %scan3A_54 : i32 to vector<16xi32>
      %lt3A_130 = arith.cmpi ult, %sub3A_126, %lt3A_129 : vector<16xi32>
      %mul3A_131 = arith.constant 16 : i32
      %mul3A_132 = arith.muli %add3A_106, %mul3A_131 : i32
      %get3A_133 = arith.index_cast %mul3A_132 : i32 to index
      %get3A_134 = tpu.vector_load %arg6[%get3A_133] {strides = array<i32>} : memref<2048xf32, #tpu.memory_space<vmem>>, vector<16xf32>,
      tpu.vector_store_idx %arg7[%sub3A_124, %add3A_110], %get3A_134 masked %lt3A_128 : memref<24x2048xf32, #tpu.memory_space<vmem>>[vector<16xi32>, vector<16xi32>], vector<16xf32>, vector<16xi1>
      %sub3A_135 = arith.constant 1.000000e+00 : f32
      %sub3A_136 = vector.broadcast %sub3A_135 : f32 to vector<16xf32>
      %sub3A_137 = arith.subf %sub3A_136, %get3A_134 : vector<16xf32>
      tpu.vector_store_idx %arg7[%sub3A_126, %add3A_110], %sub3A_137 masked %lt3A_130 : memref<24x2048xf32, #tpu.memory_space<vmem>>[vector<16xi32>, vector<16xi32>], vector<16xf32>, vector<16xi1>
      %mul3A_138 = arith.constant 4 : i32
      %mul3A_139 = arith.muli %scan3A_101, %mul3A_138 : i32
      %add3A_140 = arith.constant 1 : i32
      %add3A_141 = arith.addi %mul3A_139, %add3A_140 : i32
      %mul3A_142 = arith.constant 16 : i32
      %mul3A_143 = arith.muli %add3A_141, %mul3A_142 : i32
      %add3A_144 = vector.broadcast %mul3A_143 : i32 to vector<16xi32>
      %add3A_145 = arith.addi %iota3A, %add3A_144 : vector<16xi32>
      %mul3A_146 = arith.constant 16 : i32
      %mul3A_147 = arith.muli %add3A_141, %mul3A_146 : i32
      %get3A_148 = arith.index_cast %mul3A_147 : i32 to index
      %get3A_149 = tpu.vector_load %arg5[%get3A_148] {strides = array<i32>} : memref<2048xi32, #tpu.memory_space<vmem>>, vector<16xi32>,
      %add3A_150 = arith.constant 1 : i32
      %add3A_151 = vector.broadcast %add3A_150 : i32 to vector<16xi32>
      %add3A_152 = arith.addi %get3A_149, %add3A_151 : vector<16xi32>
      %sub3A_153 = vector.broadcast %scan3A_53 : i32 to vector<16xi32>
      %sub3A_154 = arith.subi %get3A_149, %sub3A_153 : vector<16xi32>
      %sub3A_155 = vector.broadcast %scan3A_53 : i32 to vector<16xi32>
      %sub3A_156 = arith.subi %add3A_152, %sub3A_155 : vector<16xi32>
      %lt3A_157 = vector.broadcast %scan3A_54 : i32 to vector<16xi32>
      %lt3A_158 = arith.cmpi ult, %sub3A_154, %lt3A_157 : vector<16xi32>
      %lt3A_159 = vector.broadcast %scan3A_54 : i32 to vector<16xi32>
      %lt3A_160 = arith.cmpi ult, %sub3A_156, %lt3A_159 : vector<16xi32>
      tpu.vector_store_idx %arg7[%sub3A_154, %add3A_145], %broadcast_in_dim3A_6 masked %lt3A_158 : memref<24x2048xf32, #tpu.memory_space<vmem>>[vector<16xi32>, vector<16xi32>], vector<16xf32>, vector<16xi1>
      tpu.vector_store_idx %arg7[%sub3A_156, %add3A_145], %broadcast_in_dim3A_6 masked %lt3A_160 : memref<24x2048xf32, #tpu.memory_space<vmem>>[vector<16xi32>, vector<16xi32>], vector<16xf32>, vector<16xi1>
      %sub3A_161 = vector.broadcast %scan3A_55 : i32 to vector<16xi32>
      %sub3A_162 = arith.subi %get3A_149, %sub3A_161 : vector<16xi32>
      %sub3A_163 = vector.broadcast %scan3A_55 : i32 to vector<16xi32>
      %sub3A_164 = arith.subi %add3A_152, %sub3A_163 : vector<16xi32>
      %lt3A_165 = vector.broadcast %scan3A_54 : i32 to vector<16xi32>
      %lt3A_166 = arith.cmpi ult, %sub3A_162, %lt3A_165 : vector<16xi32>
      %lt3A_167 = vector.broadcast %scan3A_54 : i32 to vector<16xi32>
      %lt3A_168 = arith.cmpi ult, %sub3A_164, %lt3A_167 : vector<16xi32>
      %mul3A_169 = arith.constant 16 : i32
      %mul3A_170 = arith.muli %add3A_141, %mul3A_169 : i32
      %get3A_171 = arith.index_cast %mul3A_170 : i32 to index
      %get3A_172 = tpu.vector_load %arg6[%get3A_171] {strides = array<i32>} : memref<2048xf32, #tpu.memory_space<vmem>>, vector<16xf32>,
      tpu.vector_store_idx %arg7[%sub3A_162, %add3A_145], %get3A_172 masked %lt3A_166 : memref<24x2048xf32, #tpu.memory_space<vmem>>[vector<16xi32>, vector<16xi32>], vector<16xf32>, vector<16xi1>
      %sub3A_173 = arith.constant 1.000000e+00 : f32
      %sub3A_174 = vector.broadcast %sub3A_173 : f32 to vector<16xf32>
      %sub3A_175 = arith.subf %sub3A_174, %get3A_172 : vector<16xf32>
      tpu.vector_store_idx %arg7[%sub3A_164, %add3A_145], %sub3A_175 masked %lt3A_168 : memref<24x2048xf32, #tpu.memory_space<vmem>>[vector<16xi32>, vector<16xi32>], vector<16xf32>, vector<16xi1>
      %mul3A_176 = arith.constant 4 : i32
      %mul3A_177 = arith.muli %scan3A_101, %mul3A_176 : i32
      %add3A_178 = arith.constant 2 : i32
      %add3A_179 = arith.addi %mul3A_177, %add3A_178 : i32
      %mul3A_180 = arith.constant 16 : i32
      %mul3A_181 = arith.muli %add3A_179, %mul3A_180 : i32
      %add3A_182 = vector.broadcast %mul3A_181 : i32 to vector<16xi32>
      %add3A_183 = arith.addi %iota3A, %add3A_182 : vector<16xi32>
      %mul3A_184 = arith.constant 16 : i32
      %mul3A_185 = arith.muli %add3A_179, %mul3A_184 : i32
      %get3A_186 = arith.index_cast %mul3A_185 : i32 to index
      %get3A_187 = tpu.vector_load %arg5[%get3A_186] {strides = array<i32>} : memref<2048xi32, #tpu.memory_space<vmem>>, vector<16xi32>,
      %add3A_188 = arith.constant 1 : i32
      %add3A_189 = vector.broadcast %add3A_188 : i32 to vector<16xi32>
      %add3A_190 = arith.addi %get3A_187, %add3A_189 : vector<16xi32>
      %sub3A_191 = vector.broadcast %scan3A_53 : i32 to vector<16xi32>
      %sub3A_192 = arith.subi %get3A_187, %sub3A_191 : vector<16xi32>
      %sub3A_193 = vector.broadcast %scan3A_53 : i32 to vector<16xi32>
      %sub3A_194 = arith.subi %add3A_190, %sub3A_193 : vector<16xi32>
      %lt3A_195 = vector.broadcast %scan3A_54 : i32 to vector<16xi32>
      %lt3A_196 = arith.cmpi ult, %sub3A_192, %lt3A_195 : vector<16xi32>
      %lt3A_197 = vector.broadcast %scan3A_54 : i32 to vector<16xi32>
      %lt3A_198 = arith.cmpi ult, %sub3A_194, %lt3A_197 : vector<16xi32>
      tpu.vector_store_idx %arg7[%sub3A_192, %add3A_183], %broadcast_in_dim3A_6 masked %lt3A_196 : memref<24x2048xf32, #tpu.memory_space<vmem>>[vector<16xi32>, vector<16xi32>], vector<16xf32>, vector<16xi1>
      tpu.vector_store_idx %arg7[%sub3A_194, %add3A_183], %broadcast_in_dim3A_6 masked %lt3A_198 : memref<24x2048xf32, #tpu.memory_space<vmem>>[vector<16xi32>, vector<16xi32>], vector<16xf32>, vector<16xi1>
      %sub3A_199 = vector.broadcast %scan3A_55 : i32 to vector<16xi32>
      %sub3A_200 = arith.subi %get3A_187, %sub3A_199 : vector<16xi32>
      %sub3A_201 = vector.broadcast %scan3A_55 : i32 to vector<16xi32>
      %sub3A_202 = arith.subi %add3A_190, %sub3A_201 : vector<16xi32>
      %lt3A_203 = vector.broadcast %scan3A_54 : i32 to vector<16xi32>
      %lt3A_204 = arith.cmpi ult, %sub3A_200, %lt3A_203 : vector<16xi32>
      %lt3A_205 = vector.broadcast %scan3A_54 : i32 to vector<16xi32>
      %lt3A_206 = arith.cmpi ult, %sub3A_202, %lt3A_205 : vector<16xi32>
      %mul3A_207 = arith.constant 16 : i32
      %mul3A_208 = arith.muli %add3A_179, %mul3A_207 : i32
      %get3A_209 = arith.index_cast %mul3A_208 : i32 to index
      %get3A_210 = tpu.vector_load %arg6[%get3A_209] {strides = array<i32>} : memref<2048xf32, #tpu.memory_space<vmem>>, vector<16xf32>,
      tpu.vector_store_idx %arg7[%sub3A_200, %add3A_183], %get3A_210 masked %lt3A_204 : memref<24x2048xf32, #tpu.memory_space<vmem>>[vector<16xi32>, vector<16xi32>], vector<16xf32>, vector<16xi1>
      %sub3A_211 = arith.constant 1.000000e+00 : f32
      %sub3A_212 = vector.broadcast %sub3A_211 : f32 to vector<16xf32>
      %sub3A_213 = arith.subf %sub3A_212, %get3A_210 : vector<16xf32>
      tpu.vector_store_idx %arg7[%sub3A_202, %add3A_183], %sub3A_213 masked %lt3A_206 : memref<24x2048xf32, #tpu.memory_space<vmem>>[vector<16xi32>, vector<16xi32>], vector<16xf32>, vector<16xi1>
      %mul3A_214 = arith.constant 4 : i32
      %mul3A_215 = arith.muli %scan3A_101, %mul3A_214 : i32
      %add3A_216 = arith.constant 3 : i32
      %add3A_217 = arith.addi %mul3A_215, %add3A_216 : i32
      %mul3A_218 = arith.constant 16 : i32
      %mul3A_219 = arith.muli %add3A_217, %mul3A_218 : i32
      %add3A_220 = vector.broadcast %mul3A_219 : i32 to vector<16xi32>
      %add3A_221 = arith.addi %iota3A, %add3A_220 : vector<16xi32>
      %mul3A_222 = arith.constant 16 : i32
      %mul3A_223 = arith.muli %add3A_217, %mul3A_222 : i32
      %get3A_224 = arith.index_cast %mul3A_223 : i32 to index
      %get3A_225 = tpu.vector_load %arg5[%get3A_224] {strides = array<i32>} : memref<2048xi32, #tpu.memory_space<vmem>>, vector<16xi32>,
      %add3A_226 = arith.constant 1 : i32
      %add3A_227 = vector.broadcast %add3A_226 : i32 to vector<16xi32>
      %add3A_228 = arith.addi %get3A_225, %add3A_227 : vector<16xi32>
      %sub3A_229 = vector.broadcast %scan3A_53 : i32 to vector<16xi32>
      %sub3A_230 = arith.subi %get3A_225, %sub3A_229 : vector<16xi32>
      %sub3A_231 = vector.broadcast %scan3A_53 : i32 to vector<16xi32>
      %sub3A_232 = arith.subi %add3A_228, %sub3A_231 : vector<16xi32>
      %lt3A_233 = vector.broadcast %scan3A_54 : i32 to vector<16xi32>
      %lt3A_234 = arith.cmpi ult, %sub3A_230, %lt3A_233 : vector<16xi32>
      %lt3A_235 = vector.broadcast %scan3A_54 : i32 to vector<16xi32>
      %lt3A_236 = arith.cmpi ult, %sub3A_232, %lt3A_235 : vector<16xi32>
      tpu.vector_store_idx %arg7[%sub3A_230, %add3A_221], %broadcast_in_dim3A_6 masked %lt3A_234 : memref<24x2048xf32, #tpu.memory_space<vmem>>[vector<16xi32>, vector<16xi32>], vector<16xf32>, vector<16xi1>
      tpu.vector_store_idx %arg7[%sub3A_232, %add3A_221], %broadcast_in_dim3A_6 masked %lt3A_236 : memref<24x2048xf32, #tpu.memory_space<vmem>>[vector<16xi32>, vector<16xi32>], vector<16xf32>, vector<16xi1>
      %sub3A_237 = vector.broadcast %scan3A_55 : i32 to vector<16xi32>
      %sub3A_238 = arith.subi %get3A_225, %sub3A_237 : vector<16xi32>
      %sub3A_239 = vector.broadcast %scan3A_55 : i32 to vector<16xi32>
      %sub3A_240 = arith.subi %add3A_228, %sub3A_239 : vector<16xi32>
      %lt3A_241 = vector.broadcast %scan3A_54 : i32 to vector<16xi32>
      %lt3A_242 = arith.cmpi ult, %sub3A_238, %lt3A_241 : vector<16xi32>
      %lt3A_243 = vector.broadcast %scan3A_54 : i32 to vector<16xi32>
      %lt3A_244 = arith.cmpi ult, %sub3A_240, %lt3A_243 : vector<16xi32>
      %mul3A_245 = arith.constant 16 : i32
      %mul3A_246 = arith.muli %add3A_217, %mul3A_245 : i32
      %get3A_247 = arith.index_cast %mul3A_246 : i32 to index
      %get3A_248 = tpu.vector_load %arg6[%get3A_247] {strides = array<i32>} : memref<2048xf32, #tpu.memory_space<vmem>>, vector<16xf32>,
      tpu.vector_store_idx %arg7[%sub3A_238, %add3A_221], %get3A_248 masked %lt3A_242 : memref<24x2048xf32, #tpu.memory_space<vmem>>[vector<16xi32>, vector<16xi32>], vector<16xf32>, vector<16xi1>
      %sub3A_249 = arith.constant 1.000000e+00 : f32
      %sub3A_250 = vector.broadcast %sub3A_249 : f32 to vector<16xf32>
      %sub3A_251 = arith.subf %sub3A_250, %get3A_248 : vector<16xf32>
      tpu.vector_store_idx %arg7[%sub3A_240, %add3A_221], %sub3A_251 masked %lt3A_244 : memref<24x2048xf32, #tpu.memory_space<vmem>>[vector<16xi32>, vector<16xi32>], vector<16xf32>, vector<16xi1>
      %scan3A_252 = arith.constant 0 : i32
      scf.yield %scan3A_252 : i32
    }
    %scan3A_62 = arith.constant 32 : i32
    %dma_start3A_63 = arith.constant 576 : i32
    %dma_start3A_64 = tpu.memref_slice %arg4[%dma_start3A_63, %mul3A_2] : memref<601x65536xf32, #tpu.memory_space<hbm>> -> memref<24x2048xf32, #tpu.memory_space<hbm>>
    %dma_start3A_65 = tpu.memref_slice %arg4[%dma_start3A_63, %mul3A_2] : memref<601x65536xf32, #tpu.memory_space<hbm>> -> memref<24x2048xf32, #tpu.memory_space<hbm>>
    tpu.enqueue_dma source(%arg7 : memref<24x2048xf32, #tpu.memory_space<vmem>>) target(%dma_start3A_65 : memref<24x2048xf32, #tpu.memory_space<hbm>>) target_semaphore(%arg10 : memref<!tpu.dma_semaphore, #tpu.memory_space<semaphore_mem>>)
    %dma_wait3A_66 = arith.constant 0 : i32
    %dma_wait3A_67 = tpu.memref_slice %arg4[%dma_wait3A_66, %mul3A_2] : memref<601x65536xf32, #tpu.memory_space<hbm>> -> memref<24x2048xf32, #tpu.memory_space<hbm>>
    %dma_wait3A_68 = arith.constant 0 : i32
    %dma_wait3A_69 = tpu.memref_slice %arg4[%dma_wait3A_68, %mul3A_2] : memref<601x65536xf32, #tpu.memory_space<hbm>> -> memref<24x2048xf32, #tpu.memory_space<hbm>>
    tpu.wait_dma2 semaphore(%arg10 : memref<!tpu.dma_semaphore, #tpu.memory_space<semaphore_mem>>) src(%arg7 : memref<24x2048xf32, #tpu.memory_space<vmem>>) dst(%dma_wait3A_69 : memref<24x2048xf32, #tpu.memory_space<hbm>>)
    %scan3A_70 = arith.constant 0 : i32
    %scan3A_71 = arith.constant 0 : i32
    %scan3A_72 = arith.constant 128 : i32
    %scan3A_73 = arith.addi %scan3A_71, %scan3A_72 : i32
    %scan3A_74 = arith.constant 1 : i32
    %scan3A_75 = scf.for %scan3A_101 = %scan3A_71 to %scan3A_73 step %scan3A_74 iter_args(%scan3A_102 = %scan3A_70) -> (i32)  : i32 {
      %mul3A_103 = arith.constant 16 : i32
      %mul3A_104 = arith.muli %scan3A_101, %mul3A_103 : i32
      %add3A_105 = vector.broadcast %mul3A_104 : i32 to vector<16xi32>
      %add3A_106 = arith.addi %iota3A, %add3A_105 : vector<16xi32>
      %mul3A_107 = arith.constant 16 : i32
      %mul3A_108 = arith.muli %scan3A_101, %mul3A_107 : i32
      %get3A = arith.index_cast %mul3A_108 : i32 to index
      %get3A_109 = tpu.vector_load %arg5[%get3A] {strides = array<i32>} : memref<2048xi32, #tpu.memory_space<vmem>>, vector<16xi32>,
      %add3A_110 = arith.constant 1 : i32
      %add3A_111 = vector.broadcast %add3A_110 : i32 to vector<16xi32>
      %add3A_112 = arith.addi %get3A_109, %add3A_111 : vector<16xi32>
      %ge3A = arith.constant 552 : i32
      %ge3A_113 = vector.broadcast %ge3A : i32 to vector<16xi32>
      %ge3A_114 = arith.cmpi sge, %get3A_109, %ge3A_113 : vector<16xi32>
      %add3A_115 = arith.constant 552 : i32
      %add3A_116 = arith.constant 24 : i32
      %add3A_117 = arith.addi %add3A_115, %add3A_116 : i32
      %lt3A = vector.broadcast %add3A_117 : i32 to vector<16xi32>
      %lt3A_118 = arith.cmpi slt, %get3A_109, %lt3A : vector<16xi32>
      %and3A = arith.andi %ge3A_114, %lt3A_118 : vector<16xi1>
      %ge3A_119 = arith.constant 552 : i32
      %ge3A_120 = vector.broadcast %ge3A_119 : i32 to vector<16xi32>
      %ge3A_121 = arith.cmpi sge, %add3A_112, %ge3A_120 : vector<16xi32>
      %add3A_122 = arith.constant 552 : i32
      %add3A_123 = arith.constant 24 : i32
      %add3A_124 = arith.addi %add3A_122, %add3A_123 : i32
      %lt3A_125 = vector.broadcast %add3A_124 : i32 to vector<16xi32>
      %lt3A_126 = arith.cmpi slt, %add3A_112, %lt3A_125 : vector<16xi32>
      %and3A_127 = arith.andi %ge3A_121, %lt3A_126 : vector<16xi1>
      %sub3A = arith.constant 552 : i32
      %sub3A_128 = vector.broadcast %sub3A : i32 to vector<16xi32>
      %sub3A_129 = arith.subi %get3A_109, %sub3A_128 : vector<16xi32>
      tpu.vector_store_idx %arg8[%sub3A_129, %add3A_106], %broadcast_in_dim3A_6 masked %and3A : memref<24x2048xf32, #tpu.memory_space<vmem>>[vector<16xi32>, vector<16xi32>], vector<16xf32>, vector<16xi1>
      %sub3A_130 = arith.constant 552 : i32
      %sub3A_131 = vector.broadcast %sub3A_130 : i32 to vector<16xi32>
      %sub3A_132 = arith.subi %add3A_112, %sub3A_131 : vector<16xi32>
      tpu.vector_store_idx %arg8[%sub3A_132, %add3A_106], %broadcast_in_dim3A_6 masked %and3A_127 : memref<24x2048xf32, #tpu.memory_space<vmem>>[vector<16xi32>, vector<16xi32>], vector<16xf32>, vector<16xi1>
      %eq3A = arith.constant 600 : i32
      %eq3A_133 = vector.broadcast %eq3A : i32 to vector<16xi32>
      %eq3A_134 = arith.cmpi eq, %add3A_112, %eq3A_133 : vector<16xi32>
      %sub3A_135 = arith.constant 600 : i32
      %sub3A_136 = vector.broadcast %sub3A_135 : i32 to vector<16xi32>
      %sub3A_137 = arith.subi %add3A_112, %sub3A_136 : vector<16xi32>
      %mul3A_138 = arith.constant 16 : i32
      %mul3A_139 = arith.muli %scan3A_101, %mul3A_138 : i32
      %get3A_140 = arith.index_cast %mul3A_139 : i32 to index
      %get3A_141 = tpu.vector_load %arg6[%get3A_140] {strides = array<i32>} : memref<2048xf32, #tpu.memory_space<vmem>>, vector<16xf32>,
      %sub3A_142 = arith.constant 1.000000e+00 : f32
      %sub3A_143 = vector.broadcast %sub3A_142 : f32 to vector<16xf32>
      %sub3A_144 = arith.subf %sub3A_143, %get3A_141 : vector<16xf32>
      tpu.vector_store_idx %arg8[%sub3A_137, %add3A_106], %sub3A_144 masked %eq3A_134 : memref<24x2048xf32, #tpu.memory_space<vmem>>[vector<16xi32>, vector<16xi32>], vector<16xf32>, vector<16xi1>
      %scan3A_145 = arith.constant 0 : i32
      scf.yield %scan3A_145 : i32
    }
    %scan3A_76 = arith.constant 128 : i32
    %dma_start3A_77 = arith.constant 0 : i32
    %dma_start3A_78 = arith.constant 0 : i32
    %dma_start3A_79 = tpu.memref_slice %arg8[%dma_start3A_77, %dma_start3A_78] : memref<24x2048xf32, #tpu.memory_space<vmem>> -> memref<1x2048xf32, #tpu.memory_space<vmem>>
    %dma_start3A_80 = arith.constant 600 : i32
    %dma_start3A_81 = tpu.memref_slice %arg4[%dma_start3A_80, %mul3A_2] : memref<601x65536xf32, #tpu.memory_space<hbm>> -> memref<1x2048xf32, #tpu.memory_space<hbm>>
    %dma_start3A_82 = arith.constant 600 : i32
    %dma_start3A_83 = tpu.memref_slice %arg4[%dma_start3A_82, %mul3A_2] : memref<601x65536xf32, #tpu.memory_space<hbm>> -> memref<1x2048xf32, #tpu.memory_space<hbm>>
    %dma_start3A_84 = arith.constant 0 : i32
    %dma_start3A_85 = arith.constant 0 : i32
    %dma_start3A_86 = tpu.memref_slice %arg8[%dma_start3A_84, %dma_start3A_85] : memref<24x2048xf32, #tpu.memory_space<vmem>> -> memref<1x2048xf32, #tpu.memory_space<vmem>>
    tpu.enqueue_dma source(%dma_start3A_86 : memref<1x2048xf32, #tpu.memory_space<vmem>>) target(%dma_start3A_83 : memref<1x2048xf32, #tpu.memory_space<hbm>>) target_semaphore(%arg10 : memref<!tpu.dma_semaphore, #tpu.memory_space<semaphore_mem>>)
    %dma_wait3A_87 = arith.constant 0 : i32
    %dma_wait3A_88 = tpu.memref_slice %arg4[%dma_wait3A_87, %mul3A_2] : memref<601x65536xf32, #tpu.memory_space<hbm>> -> memref<24x2048xf32, #tpu.memory_space<hbm>>
    %dma_wait3A_89 = arith.constant 0 : i32
    %dma_wait3A_90 = tpu.memref_slice %arg4[%dma_wait3A_89, %mul3A_2] : memref<601x65536xf32, #tpu.memory_space<hbm>> -> memref<24x2048xf32, #tpu.memory_space<hbm>>
    tpu.wait_dma2 semaphore(%arg10 : memref<!tpu.dma_semaphore, #tpu.memory_space<semaphore_mem>>) src(%arg7 : memref<24x2048xf32, #tpu.memory_space<vmem>>) dst(%dma_wait3A_90 : memref<24x2048xf32, #tpu.memory_space<hbm>>)
    %dma_wait3A_91 = arith.constant 0 : i32
    %dma_wait3A_92 = arith.constant 0 : i32
    %dma_wait3A_93 = tpu.memref_slice %arg8[%dma_wait3A_91, %dma_wait3A_92] : memref<24x2048xf32, #tpu.memory_space<vmem>> -> memref<1x2048xf32, #tpu.memory_space<vmem>>
    %dma_wait3A_94 = arith.constant 600 : i32
    %dma_wait3A_95 = tpu.memref_slice %arg4[%dma_wait3A_94, %mul3A_2] : memref<601x65536xf32, #tpu.memory_space<hbm>> -> memref<1x2048xf32, #tpu.memory_space<hbm>>
    %dma_wait3A_96 = arith.constant 600 : i32
    %dma_wait3A_97 = tpu.memref_slice %arg4[%dma_wait3A_96, %mul3A_2] : memref<601x65536xf32, #tpu.memory_space<hbm>> -> memref<1x2048xf32, #tpu.memory_space<hbm>>
    %dma_wait3A_98 = arith.constant 0 : i32
    %dma_wait3A_99 = arith.constant 0 : i32
    %dma_wait3A_100 = tpu.memref_slice %arg8[%dma_wait3A_98, %dma_wait3A_99] : memref<24x2048xf32, #tpu.memory_space<vmem>> -> memref<1x2048xf32, #tpu.memory_space<vmem>>
    tpu.wait_dma2 semaphore(%arg10 : memref<!tpu.dma_semaphore, #tpu.memory_space<semaphore_mem>>) src(%dma_wait3A_100 : memref<1x2048xf32, #tpu.memory_space<vmem>>) dst(%dma_wait3A_97 : memref<1x2048xf32, #tpu.memory_space<hbm>>)
    return
  }
}

module attributes {stable_mosaic.version = 14 : i64} {
  func.func @_prep_kernel(%arg0: memref<512x128xf32, #tpu.memory_space<vmem>>, %arg1: memref<512x128xf32, #tpu.memory_space<vmem>>, %arg2: memref<512x128xi32, #tpu.memory_space<vmem>>, %arg3: memref<512x128xf32, #tpu.memory_space<vmem>>) attributes {dimension_semantics = [], scalar_prefetch = 0 : i64, scratch_operands = 0 : i64, tpu.core_type = #tpu.core_type<tc>} {
    %get3A = arith.constant 0 : index
    %get3A_0 = arith.constant 0 : index
    %get3A_1 = vector.load %arg0[%get3A, %get3A_0] : memref<512x128xf32, #tpu.memory_space<vmem>>, vector<512x128xf32>
    %sign3A = tpu.bitcast %get3A_1 : vector<512x128xf32> -> vector<512x128xi32>
    %sign3A_2 = arith.constant -2147483648 : i32
    %sign3A_3 = vector.broadcast %sign3A_2 : i32 to vector<512x128xi32>
    %sign3A_4 = arith.andi %sign3A, %sign3A_3 : vector<512x128xi32>
    %sign3A_5 = arith.constant 1065353216 : i32
    %sign3A_6 = vector.broadcast %sign3A_5 : i32 to vector<512x128xi32>
    %sign3A_7 = arith.ori %sign3A_6, %sign3A_4 : vector<512x128xi32>
    %sign3A_8 = tpu.bitcast %sign3A_7 : vector<512x128xi32> -> vector<512x128xf32>
    %sign3A_9 = math.absf %get3A_1 : vector<512x128xf32>
    %sign3A_10 = arith.constant 0.000000e+00 : f32
    %sign3A_11 = vector.broadcast %sign3A_10 : f32 to vector<512x128xf32>
    %sign3A_12 = arith.cmpf ogt, %sign3A_9, %sign3A_11 : vector<512x128xf32>
    %sign3A_13 = arith.select %sign3A_12, %sign3A_8, %get3A_1 : vector<512x128xi1>, vector<512x128xf32>
    %abs3A = math.absf %get3A_1 : vector<512x128xf32>
    %add3A = arith.constant 1.000000e+00 : f32
    %add3A_14 = vector.broadcast %add3A : f32 to vector<512x128xf32>
    %add3A_15 = arith.addf %abs3A, %add3A_14 : vector<512x128xf32>
    %sqrt3A = math.sqrt %add3A_15 : vector<512x128xf32>
    %sub3A = arith.constant 1.000000e+00 : f32
    %sub3A_16 = vector.broadcast %sub3A : f32 to vector<512x128xf32>
    %sub3A_17 = arith.subf %sqrt3A, %sub3A_16 : vector<512x128xf32>
    %mul3A = arith.mulf %sign3A_13, %sub3A_17 : vector<512x128xf32>
    %mul3A_18 = arith.constant 1.000000e-03 : f32
    %mul3A_19 = vector.broadcast %mul3A_18 : f32 to vector<512x128xf32>
    %mul3A_20 = arith.mulf %mul3A_19, %get3A_1 : vector<512x128xf32>
    %add3A_21 = arith.addf %mul3A, %mul3A_20 : vector<512x128xf32>
    %jit3A = arith.constant -3.000000e+02 : f32
    %jit3A_22 = arith.constant 3.000000e+02 : f32
    %max3A = vector.broadcast %jit3A : f32 to vector<512x128xf32>
    %max3A_23 = arith.maximumf %max3A, %add3A_21 : vector<512x128xf32>
    %min3A = vector.broadcast %jit3A_22 : f32 to vector<512x128xf32>
    %min3A_24 = arith.minimumf %min3A, %max3A_23 : vector<512x128xf32>
    %floor3A = math.floor %min3A_24 : vector<512x128xf32>
    %sub3A_25 = arith.subf %min3A_24, %floor3A : vector<512x128xf32>
    %convert_element_type3A = arith.fptosi %floor3A : vector<512x128xf32> to vector<512x128xi32>
    %ge3A = arith.constant 300 : i32
    %ge3A_26 = vector.broadcast %ge3A : i32 to vector<512x128xi32>
    %ge3A_27 = arith.cmpi sge, %convert_element_type3A, %ge3A_26 : vector<512x128xi32>
    %swap3A = arith.constant 0 : index
    %swap3A_28 = arith.constant 0 : index
    %swap3A_29 = vector.load %arg1[%swap3A, %swap3A_28] : memref<512x128xf32, #tpu.memory_space<vmem>>, vector<512x128xf32>
    tpu.vector_store %arg1[%swap3A, %swap3A_28], %min3A_24 {strides = array<i32>} : memref<512x128xf32, #tpu.memory_space<vmem>>, vector<512x128xf32>,
    %add3A_30 = arith.constant 300 : i32
    %add3A_31 = vector.broadcast %add3A_30 : i32 to vector<512x128xi32>
    %add3A_32 = arith.addi %convert_element_type3A, %add3A_31 : vector<512x128xi32>
    %jit3A_33 = arith.constant 599 : i32
    %broadcast_in_dim3A = vector.broadcast %jit3A_33 : i32 to vector<512x128xi32>
    %select_n3A = arith.select %ge3A_27, %broadcast_in_dim3A, %add3A_32 : vector<512x128xi1>, vector<512x128xi32>
    %swap3A_34 = arith.constant 0 : index
    %swap3A_35 = arith.constant 0 : index
    %swap3A_36 = vector.load %arg2[%swap3A_34, %swap3A_35] : memref<512x128xi32, #tpu.memory_space<vmem>>, vector<512x128xi32>
    tpu.vector_store %arg2[%swap3A_34, %swap3A_35], %select_n3A {strides = array<i32>} : memref<512x128xi32, #tpu.memory_space<vmem>>, vector<512x128xi32>,
    %sub3A_37 = arith.constant 1.000000e+00 : f32
    %sub3A_38 = vector.broadcast %sub3A_37 : f32 to vector<512x128xf32>
    %sub3A_39 = arith.subf %sub3A_38, %sub3A_25 : vector<512x128xf32>
    %jit3A_40 = arith.constant 0.000000e+00 : f32
    %broadcast_in_dim3A_41 = vector.broadcast %jit3A_40 : f32 to vector<512x128xf32>
    %select_n3A_42 = arith.select %ge3A_27, %broadcast_in_dim3A_41, %sub3A_39 : vector<512x128xi1>, vector<512x128xf32>
    %swap3A_43 = arith.constant 0 : index
    %swap3A_44 = arith.constant 0 : index
    %swap3A_45 = vector.load %arg3[%swap3A_43, %swap3A_44] : memref<512x128xf32, #tpu.memory_space<vmem>>, vector<512x128xf32>
    tpu.vector_store %arg3[%swap3A_43, %swap3A_44], %select_n3A_42 {strides = array<i32>} : memref<512x128xf32, #tpu.memory_space<vmem>>, vector<512x128xf32>,
    return
  }
}

</mosaic_0001>

<sc_bundles>
// kernel: kernel.4.cloned.1.call-start
scs
__scs_entry_jumppad:
0x0: {  	(pc) =	sbr.rel $0x88, $3  }
0x1: {  	(tag) =	ssettag $0x0;
	lr =	simm.s32 $0x1  }
0x2: {  	[smem:$0x3FA0] =	sst lr;
	_ =	strace $0xD0000000  }
0x3: {  	_ = 	snop  }
0x4: {  	_ = 	snop  }
0x5: {  	_ = 	snop  }
0x6: {  	_ = 	snop  }
0x7: {  	_ = 	snop  }
__scs_overlays_trampoline_lowered:
0x8: {  	[smem:$0x3FAF] =	sst s0  }
0x9: {  	[smem:$0x3FB0] =	sst s1  }
0xa: {  	[smem:$0x3FB1] =	sst s2  }
0xb: {  	[smem:$0x3FB2] =	sst s3  }
0xc: {  	[smem:$0x3FB3] =	sst s4  }
0xd: {  	[smem:$0x3FB4] =	sst s5  }
0xe: {  	[smem:$0x3FB5] =	sst s6  }
0xf: {  	[smem:$0x3FB6] =	sst s7  }
0x10: {  	[smem:$0x3FB7] =	sst s8  }
0x11: {  	[smem:$0x3FB8] =	sst s9;
	s0 =	simm.s32 @!p0 $0x0  }
0x12: {  	s1 =	sld [smem:$0x3F9E];
	s0 =	simm.s32 @p0 $0x1  }
0x13: {  	[smem:$0x3FB9] =	sst s0;
	s0 =	simm.s32 @!p1 $0x0  }
0x14: {  	s2 =	sld [smem:$0x3F9D];
	s0 =	simm.s32 @p1 $0x1  }
0x15: {  	[smem:$0x3FBA] =	sst s0;
	s0 =	simm.s32 @!p2 $0x0  }
0x16: {  	s3 =	sld [smem:$0x3FDB];
	s0 =	simm.s32 @p2 $0x1  }
0x17: {  	s4 =	simm.s32 $0x1BF5;
	[smem:$0x3FBC] =	sst s0  }
0x18: {  	s0 =	sld [smem:$0x3F9F];
	_ =	swait.ge [sflag:s4], $0x0  }
0x19: {  	s7 =	sld [smem:$0x3FA0]  }
0x1a: {  	s8 =	sadd.s32 $0xFFFFE003, lr  }
0x1b: {  	s9 =	sadd.s32 $0xFFFFFEF7, lr;
	s5 =	simm.s32 $0xFFFFFFFF;
	p2 =	slt.u32 s8, $0xFFFFF086  }
0x1c: {  	p1 =	slt.u32 s9, $0xF7A;
	s5 =	simm.s32 @!p2 $0x0  }
0x1d: {  	s5 =	simm.s32 @p1 $0x1;
	p0 =	seq.s32 s7, s2  }
0x1e: {  	s7 =	smul.u32 @!p0 $0xF7A, s2;
	p2 =	seq.s32 @!p0 s5, $0x0  }
0x1f: {  	s9 =	smul.u32 $0xF7A, s1;
	s8 =	simm.s32 @!p0 $0x1BF5;
	p2 =	por !p2, p0  }
0x20: {  	[sflag:s8] =	ssyncset.s32 @!p0 $0xFFFFF086;
	s6 =	sadd.s32 @!p0 s3, s7;
	s7 =	simm.s32 @!p0 $0x108  }
0x21: {  	s3 =	sadd.s32 s3, s9;
	s6 =	sadd.s32 @!p0 $0x88, s6;
	s7 =	simm.s32 @p2 $0x1082  }
0x22: {  	[simem:s7], [sflag:s8] =	dma.local @!p0 [hbm:s6], $0xF7A  }
0x23: {  	s9 =	sor.u32 $0xD0000000, s2;
	s6 =	simm.s32 $0x108;
	_ =	swait.ge @!p0 [sflag:s8], $0x0  }
0x24: {  	s3 =	sadd.s32 $0x88, s3;
	s6 =	simm.s32 @!p1 $0x1082;
	[sflag:s4] =	ssyncset.s32 $0xFFFFF086  }
0x25: {  	[simem:s6], [sflag:s4] =	dma.local [hbm:s3], $0xF7A  }
0x26: {  	[smem:$0x3FA0] =	sst s1;
	(tag) =	ssettag s2;
	_ =	strace s9  }
0x27: {  	s1 =	sld [smem:$0x3FB0]  }
0x28: {  	s2 =	sld [smem:$0x3FB1]  }
0x29: {  	s4 =	sld [smem:$0x3FB3]  }
0x2a: {  	p0 =	seq.s32 s5, $0x0;
	s5 =	sld [smem:$0x3FB4]  }
0x2b: {  	s6 =	sld [smem:$0x3FB5]  }
0x2c: {  	s7 =	sld [smem:$0x3FB6]  }
0x2d: {  	s3 =	simm.s32 $0x108;
	s8 =	sld [smem:$0x3FB7]  }
0x2e: {  	s3 =	simm.s32 @!p0 $0x1082;
	s9 =	sld [smem:$0x3FB8]  }
0x2f: {  	lr =	sadd.s32 s0, s3;
	s0 =	sld [smem:$0x3FAF]  }
0x30: {  	s3 =	sld [smem:$0x3FB2]  }
0x31: {  	[smem:$0x3FBB] =	sst s10  }
0x32: {  	s10 =	sld [smem:$0x3FB9];
	_ =	sdelay $0x3  }
0x33: {  	p0 =	seq.s32 s10, $0x1;
	s10 =	sld [smem:$0x3FBB];
	_ =	sdelay $0x3  }
0x34: {  	[smem:$0x3FBB] =	sst s10  }
0x35: {  	s10 =	sld [smem:$0x3FBA];
	_ =	sdelay $0x3  }
0x36: {  	p1 =	seq.s32 s10, $0x1;
	s10 =	sld [smem:$0x3FBB];
	_ =	sdelay $0x3  }
0x37: {  	[smem:$0x3FBB] =	sst s10  }
0x38: {  	s10 =	sld [smem:$0x3FBC]  }
0x39: {  	_ = 	snop;
	(pc) =	sbr.ind lr, $3  }
0x3a: {  	_ = 	snop  }
0x3b: {  	_ = 	snop  }
0x3c: {  	p2 =	seq.s32 s10, $0x1;
	s10 =	sld [smem:$0x3FBB]  }
0x3d: {  	_ =	shalt  }
0x3e: {  	_ =	shalt  }
0x3f: {  	_ =	shalt  }
0x40: {  	_ =	shalt  }
0x41: {  	_ =	shalt  }
0x42: {  	_ =	shalt  }
0x43: {  	_ =	shalt  }
0x44: {  	_ =	shalt  }
0x45: {  	_ =	shalt  }
0x46: {  	_ =	shalt  }
0x47: {  	_ =	shalt  }
0x48: {  	_ =	shalt  }
0x49: {  	_ =	shalt  }
0x4a: {  	_ =	shalt  }
0x4b: {  	_ =	shalt  }
0x4c: {  	_ =	shalt  }
0x4d: {  	_ =	shalt  }
0x4e: {  	_ =	shalt  }
0x4f: {  	_ =	shalt  }
0x50: {  	_ =	shalt  }
0x51: {  	_ =	shalt  }
0x52: {  	_ =	shalt  }
0x53: {  	_ =	shalt  }
0x54: {  	_ =	shalt  }
0x55: {  	_ =	shalt  }
0x56: {  	_ =	shalt  }
0x57: {  	_ =	shalt  }
0x58: {  	_ =	shalt  }
0x59: {  	_ =	shalt  }
0x5a: {  	_ =	shalt  }
0x5b: {  	_ =	shalt  }
0x5c: {  	_ =	shalt  }
0x5d: {  	_ =	shalt  }
0x5e: {  	_ =	shalt  }
0x5f: {  	_ =	shalt  }
0x60: {  	_ =	shalt  }
0x61: {  	_ =	shalt  }
0x62: {  	_ =	shalt  }
0x63: {  	_ =	shalt  }
0x64: {  	_ =	shalt  }
0x65: {  	_ =	shalt  }
0x66: {  	_ =	shalt  }
0x67: {  	_ =	shalt  }
0x68: {  	_ =	shalt  }
0x69: {  	_ =	shalt  }
0x6a: {  	_ =	shalt  }
0x6b: {  	_ =	shalt  }
0x6c: {  	_ =	shalt  }
0x6d: {  	_ =	shalt  }
0x6e: {  	_ =	shalt  }
0x6f: {  	_ =	shalt  }
0x70: {  	_ =	shalt  }
0x71: {  	_ =	shalt  }
0x72: {  	_ =	shalt  }
0x73: {  	_ =	shalt  }
0x74: {  	_ =	shalt  }
0x75: {  	_ =	shalt  }
0x76: {  	_ =	shalt  }
0x77: {  	_ =	shalt  }
0x78: {  	_ =	shalt  }
0x79: {  	_ =	shalt  }
0x7a: {  	_ =	shalt  }
0x7b: {  	_ =	shalt  }
0x7c: {  	_ =	shalt  }
0x7d: {  	_ =	shalt  }
0x7e: {  	_ =	shalt  }
0x7f: {  	_ =	shalt  }
0x80: {  	_ =	shalt  }
0x81: {  	_ =	shalt  }
0x82: {  	_ =	shalt  }
0x83: {  	_ =	shalt  }
0x84: {  	_ =	shalt  }
0x85: {  	_ =	shalt  }
0x86: {  	_ =	shalt  }
0x87: {  	_ =	shalt  }
.Lfunc_end0:
.L_simem_size_0:
called_computation_lowered:
.L_overlay_start_0:
0x88: {  	s2 =	sld [smem:$0x3FD9]  }
0x89: {  	s3 =	sld [smem:$0x3FFE];
	_ =	sdelay $0x1  }
0x8a: {  	s1 =	srdreg.scid  }
0x8b: {  	s0 =	sand.u32 $0x1, s1  }
0x8c: {  	s14 =	sshll.u32 s0, $0xA;
	s2 =	sadd.s32 s3, s2  }
0x8d: {  	s2 =	sadd.s32 s2, s14  }
0x8e: {  	[smem:$0x3FC7] =	sst s2  }
0x8f: {  	_ = 	snop  }
0x90: {  	s2 =	sld [smem:$0x3FD0];
	_ =	sdelay $0x2  }
0x91: {  	s15 =	simm.s32 $0xA;
	s4 =	simm.s32 $0x10  }
0x92: {  	[smem:s4], [sflag:s15] =	dma.local [hbm:s2], $0x1  }
0x93: {  	_ =	swait.eq [sflag:s15], $0x1  }
0x94: {  	[sflag:s15] =	ssyncset.done $0x0  }
0x95: {  	[sflag:s15] =	ssyncadd.s32 $0xFFFFFFFF  }
0x96: {  	s16 =	sld [smem:$0x11];
	(tm) =	ssettm $0x1  }
0x97: {  	s17 =	sld [smem:$0x3FFB];
	_ =	sdelay $0x3  }
0x98: {  	_ =	strace s17  }
0x99: {  	s3 =	sld [smem:$0x3FFC];
	_ =	sdelay $0x3  }
0x9a: {  	_ =	strace s3  }
0x9b: {  	s3 =	sld [smem:$0x3FFD];
	_ =	sdelay $0x3  }
0x9c: {  	_ =	strace s3  }
0x9d: {  	_ =	strace $0x8FFFFFFF  }
0x9e: {  	s18 =	sld [smem:$0x3FDB];
	_ =	sdelay $0x1  }
0x9f: {  	s19 =	simm.s32 $_scs_section_size  }
0xa0: {  	s5 =	simm.s32 $_size__tile_overlayer_lowered;
	s6 =	simm.s32 $_tile_overlayer_lowered  }
0xa1: {  	s22 =	simm.s32 $0x1BFF;
	s21 =	sshll.u32 s6, $0x1;
	s3 =	sadd.s32 s19, s18  }
0xa2: {  	s7 =	simm.s32 $0x0;
	s20 =	sshll.u32 s5, $0x1;
	s5 =	sadd.s32 s21, s3  }
0xa3: {  	[timem:s7], [sflag:s22] =	dma.local [hbm:s5], s20  }
0xa4: {  	_ =	swait.ge [sflag:s22], s20  }
0xa5: {  	s4 =	ssub.s32 $0x0, s20;
	[sflag:s22] =	ssyncset.done $0x0  }
0xa6: {  	[sflag:s22] =	ssyncadd.s32 s4;
	_ =	sdelay $0x1  }
0xa7: {  	s23 =	simm.s32 $0x1B8B  }
0xa8: {  	_ =	swait.ge [sflag:s23], $0x1  }
0xa9: {  	[sflag:s23] =	ssyncset.done $0x0  }
0xaa: {  	s25 =	simm.s32 $0x1B8E;
	s24 =	sld [smem:$0x3FFE];
	[sflag:s23] =	ssyncadd.s32 $0xFFFFFFFF  }
0xab: {  	s26 =	simm.s32 $execute0_lowered;
	[smem:$0x3FD2] =	sst s25  }
0xac: {  	s5 =	sshll.u32 s26, $0x1;
	_ =	strace $0x80000046;
	[dreg:$0x1] =	wrdreg $0xFFFFFFFF  }
0xad: {  	s28 =	simm.s32 $_size_execute0_lowered;
	s3 =	sadd.s32 s3, s5;
	[dreg:$0x0] =	wrdreg $0x0  }
0xae: {  	s5 =	sshll.u32 s28, $0x1;
	[dreg:$0x2] =	wrdreg s3  }
0xaf: {  	[dreg:$0x3] =	wrdreg s5  }
0xb0: {  	[dreg:$0x4] =	wrdreg $0xC0  }
0xb1: {  	_ =	task [dreg:s7], $0x5FFFF  }
0xb2: {  	[dreg:$0x1] =	wrdreg $0xFFFFFFFF  }
0xb3: {  	[dreg:$0x0] =	wrdreg $0x60  }
0xb4: {  	[dreg:$0x2] =	wrdreg s24  }
0xb5: {  	[dreg:$0x3] =	wrdreg s16  }
0xb6: {  	[dreg:$0x4] =	wrdreg $0x9  }
0xb7: {  	_ =	task.clear_ibuf [dreg:s7], $0x5FFFF;
	_ =	strace $0x90000046  }
0xb8: {  	s29 =	simm.s32 $0x9;
	_ =	strace $0x80000048  }
0xb9: {  	_ =	swait.ge [sflag:s29], $0x1  }
0xba: {  	[sflag:s29] =	ssyncadd.s32 $0xFFFFFFFF  }
0xbb: {  	_ =	strace $0x90000048  }
0xbc: {  	_ =	sfence  }
0xbd: {  	s30 =	sld [smem:$0x0];
	_ =	sdelay $0x2  }
0xbe: {  	s31 =	sshll.u32 s1, $0xD;
	s1 =	sshrl.u32 s1, $0x2  }
0xbf: {  	s3 =	sand.u32 $0x4000, s31;
	s1 =	sadd.s32 s1, s30  }
0xc0: {  	s0 =	sor.u32 s3, s0;
	s1 =	sshll.u32 s1, $0x11  }
0xc1: {  	s0 =	sor.u32 s1, s0  }
0xc2: {  	s0 =	sadd.s32 $0x8F2B, s0  }
0xc3: {  	[sflag:s0] =	ssyncadd.remote.s32 $0x1  }
0xc4: {  	_ =	sfence.sel $0xFFFF  }
0xc5: {  	[dreg:$0x0] =	wrdreg $0xFFFFFFFF;
	(pc) =	sbr.abs _section_cstart, $3  }
0xc6: {  	[dreg:$0x1] =	wrdreg $0xFFFFFFFF  }
0xc7: {  	_ =	task.clear_ibuf [dreg:s7], $0x2FFFF;
	_ =	strace $0x9FFFFFFF  }
0xc8: {  	(tm) =	ssettm $0x7FFFFFFF  }
0xc9: {  	_ =	shalt  }
tec
execute0_lowered:
.L_overlay_start_1:
0x0: {  	(tag) =	ssettag $0x1  }
0x1: {  	s0 =	rddreg [dreg:$0x0]  }
0x2: {  	s1 =	srdreg.scid;
	s5 =	rddreg [dreg:$0x1]  }
0x3: {  	s2 =	stileid.u32;
	s11 =	simm.s32 $0x1;
	s12 =	simm.s32 $0x1000  }
0x4: {  	s13 =	simm.s32 $0x4000;
	s14 =	simm.s32 $0x80000;
	s15 =	simm.s32 $0xD000  }
0x5: {  	s16 =	simm.s32 $0x2;
	s23 =	simm.s32 $0xEC00;
	s24 =	simm.s32 $0xF000  }
0x6: {  	s25 =	simm.s32 $0xF400;
	s28 =	simm.s32 $0xFC00;
	s29 =	simm.s32 $0x10000  }
0x7: {  	s30 =	simm.s32 $0x10400;
	s31 =	simm.s32 $0x10800;
	s1 =	sand.u32 $0x1, s1  }
0x8: {  	s3 =	sshll.u32 s2, $0xC;
	s2 =	simm.s32 $0x0;
	s4 =	sshll.u32 s1, $0xB  }
0x9: {  	s1 =	ssub.s32 $0x2, s1;
	[smem:$0x7FF] =	sst s2;
	s6 =	sor.u32 s4, s3  }
0xa: {  	s26 =	sshrl.u32 s1, $0x1;
	_ =	strace $0x80000047;
	s3 =	sshrl.u32 s6, $0x3  }
0xb: {  	s1 =	ssub.s32 s1, s26;
	s5 =	sadd.s32 s5, s6;
	s26 =	simm.s32 $0xF800  }
0xc: {  	s0 =	sadd.s32 s3, s0;
	s6 =	sadd.s32 $0x30000, s5;
	s7 =	sadd.s32 $0x480000, s5  }
0xd: {  	s8 =	sadd.s32 $0x4B0000, s5;
	s9 =	smax.u32 s1, $0x1;
	s1 =	simm.s32 $0x0  }
0xe: {  	v0 =	vimm.f32 $0.0e+00;
	v1 =	vlaneseq.u32;
	s3 =	sadd.s32 $0xC00, s0;
	s4 =	sadd.s32 $0x2C00, s0;
	s0 =	simm.s32 $0x10C00  }
.LBB2_1:
0xf: {  	[tilespmem:s2], [sflag:$0x1] =	stream.linear.gather [hbm4b:s3+s2], $0x800, $0x38;
	[tilespmem:$0x19000] =	vst v63  }
0x10: {  	s10 =	simm.s32 $0x800  }
0x11: {  	[tilespmem:s10], [sflag:$0x1] =	stream.linear.gather [hbm4b:s4+s2], $0x800, $0x38;
	[tilespmem:$0x19000] =	vst v63  }
0x12: {  	s17 =	simm.s32 $0x0;
	s18 =	simm.s32 $0x0;
	s10 =	simm.s32 $0x0  }
.LBB2_2:
0x13: {  	s19 =	sshll.u32 s17, $0x2;
	s20 =	sand.u32 $0x7, s10  }
0x14: {  	s19 =	sand.u32 $0xFFFF0000, s19;
	s20 =	sshll.u32 s20, $0x9  }
0x15: {  	s19 =	sor.u32 s20, s19  }
0x16: {  	s20 =	sshrl.u32 s19, $0x2  }
0x17: {  	s19 =	sor.u32 $0x1040, s20  }
0x18: {  	v2 =	vmov s19;
	_ =	sdelay $0x3  }
0x19: {  	s19 =	simm.s32 $0x0  }
0x1a: {  	[tilespmem:v2+s19+$0xFFFFFFC0 ss:$0x1] =	vst.idx.msk $0xffff, v0  }
0x1b: {  	[tilespmem:v2+s19+$0xFFFFFFD0 ss:$0x1] =	vst.idx.msk $0xffff, v0  }
0x1c: {  	s20 =	sadd.s32 $0xD070, s20;
	[tilespmem:v2+s19+$0xFFFFFFE0 ss:$0x1] =	vst.idx.msk $0xffff, v0  }
0x1d: {  	v3 =	vmov s20;
	[tilespmem:v2+s19+$0xFFFFFFF0 ss:$0x1] =	vst.idx.msk $0xffff, v0  }
0x1e: {  	[tilespmem:v2+s19+$0x0 ss:$0x1] =	vst.idx.msk $0xffff, v0  }
0x1f: {  	[tilespmem:v2+s19+$0x10 ss:$0x1] =	vst.idx.msk $0xffff, v0  }
0x20: {  	[tilespmem:v2+s19+$0x20 ss:$0x1] =	vst.idx.msk $0xffff, v0  }
0x21: {  	[tilespmem:v2+s19+$0x30 ss:$0x1] =	vst.idx.msk $0xffff, v0  }
0x22: {  	[tilespmem:v3+s19+$0xFFFFFF90 ss:$0x1] =	vst.idx.msk $0xffff, v0  }
0x23: {  	[tilespmem:v3+s19+$0xFFFFFFA0 ss:$0x1] =	vst.idx.msk $0xffff, v0  }
0x24: {  	[tilespmem:v3+s19+$0xFFFFFFB0 ss:$0x1] =	vst.idx.msk $0xffff, v0  }
0x25: {  	[tilespmem:v3+s19+$0xFFFFFFC0 ss:$0x1] =	vst.idx.msk $0xffff, v0  }
0x26: {  	[tilespmem:v3+s19+$0xFFFFFFD0 ss:$0x1] =	vst.idx.msk $0xffff, v0  }
0x27: {  	[tilespmem:v3+s19+$0xFFFFFFE0 ss:$0x1] =	vst.idx.msk $0xffff, v0  }
0x28: {  	s20 =	simm.s32 $0x1000;
	[tilespmem:v3+s19+$0xFFFFFFF0 ss:$0x1] =	vst.idx.msk $0xffff, v0  }
.LBB2_3:
0x29: {  	p0 =	sne.s32 s20, $0xF000;
	[tilespmem:v3+s19+$0x0 ss:$0x1] =	vst.idx.msk $0xffff, v0;
	s19 =	sshra.s32 s20, $0x2;
	s20 =	sadd.s32 $0x1000, s20  }
0x2a: {  	[tilespmem:v2+s19+$0xFFFFFFC0 ss:$0x1] =	vst.idx.msk $0xffff, v0  }
0x2b: {  	[tilespmem:v2+s19+$0xFFFFFFD0 ss:$0x1] =	vst.idx.msk $0xffff, v0  }
0x2c: {  	[tilespmem:v2+s19+$0xFFFFFFE0 ss:$0x1] =	vst.idx.msk $0xffff, v0  }
0x2d: {  	[tilespmem:v2+s19+$0xFFFFFFF0 ss:$0x1] =	vst.idx.msk $0xffff, v0  }
0x2e: {  	[tilespmem:v2+s19+$0x0 ss:$0x1] =	vst.idx.msk $0xffff, v0  }
0x2f: {  	[tilespmem:v2+s19+$0x10 ss:$0x1] =	vst.idx.msk $0xffff, v0  }
0x30: {  	[tilespmem:v2+s19+$0x20 ss:$0x1] =	vst.idx.msk $0xffff, v0  }
0x31: {  	[tilespmem:v2+s19+$0x30 ss:$0x1] =	vst.idx.msk $0xffff, v0  }
0x32: {  	[tilespmem:v3+s19+$0xFFFFFF90 ss:$0x1] =	vst.idx.msk $0xffff, v0  }
0x33: {  	[tilespmem:v3+s19+$0xFFFFFFA0 ss:$0x1] =	vst.idx.msk $0xffff, v0  }
.Ltmp0:
0x34: {  	[tilespmem:v3+s19+$0xFFFFFFB0 ss:$0x1] =	vst.idx.msk $0xffff, v0;
	(pc) =	sbr.rel @p0 .LBB2_3-.Ltmp0, $4  }
0x35: {  	[tilespmem:v3+s19+$0xFFFFFFC0 ss:$0x1] =	vst.idx.msk $0xffff, v0  }
0x36: {  	[tilespmem:v3+s19+$0xFFFFFFD0 ss:$0x1] =	vst.idx.msk $0xffff, v0  }
0x37: {  	[tilespmem:v3+s19+$0xFFFFFFE0 ss:$0x1] =	vst.idx.msk $0xffff, v0  }
0x38: {  	[tilespmem:v3+s19+$0xFFFFFFF0 ss:$0x1] =	vst.idx.msk $0xffff, v0  }
0x39: {  	s18 =	sadd.s32 $0x1, s18  }
0x3a: {  	p0 =	sne.s32 s18, $0x18  }
.Ltmp1:
0x3b: {  	_ = 	snop;
	(pc) =	sbr.rel @p0 .LBB2_2-.Ltmp1, $2  }
0x3c: {  	_ =	sdelay $0x2  }
0x3d: {  	[tilespmem:v3+s19+$0x0 ss:$0x1] =	vst.idx.msk $0xffff, v0;
	s17 =	sadd.s32 $0x800, s17;
	s10 =	sadd.s32 $0x1, s10  }
0x3e: {  	_ =	swait.ge [sflag:s11], $0x800  }
0x3f: {  	[sflag:s11] =	ssyncset.done $0x0  }
0x40: {  	[sflag:s11] =	ssyncadd.s32 $0xFFFFF800  }
0x41: {  	_ =	swait.ge [sflag:s11], $0x800  }
0x42: {  	s10 =	simm.s32 $0x0;
	[sflag:s11] =	ssyncset.done $0x0  }
0x43: {  	s17 =	simm.s32 $0x820;
	s18 =	simm.s32 $0x20;
	[sflag:s11] =	ssyncadd.s32 $0xFFFFF800  }
.LBB2_6:
0x44: {  	v2 =	vld [tilespmem:s18+$0xFFFFFFE0];
	_ =	sdelay $0x2  }
0x45: {  	v3 =	vmov s10;
	v4 =	vor.u32 s10, v1  }
0x46: {  	v3 =	vshll.u32 v3, $0x3;
	v4 =	vand.u32 $0x4F, v4  }
0x47: {  	v3 =	vand.u32 $0x3C00, v3;
	v5 =	vadd.s32 $0x100000, v2;
	v6 =	vadd.s32 $0x100001, v2  }
0x48: {  	v7 =	vshll.u32 v2, $0x7;
	vm0 =	vlt.u32 v5, $0x18;
	v5 =	vshll.u32 v5, $0xB  }
0x49: {  	v8 =	vshll.u32 v6, $0xB;
	v9 =	vshll.u32 v6, $0x7;
	v5 =	vand.u32 $0xFFFFC000, v5  }
0x4a: {  	v8 =	vand.u32 $0xFFFFC000, v8;
	v9 =	vand.u32 $0x380, v9;
	v5 =	vor.u32 v5, v3  }
0x4b: {  	v7 =	vand.u32 $0x380, v7;
	v8 =	vor.u32 v8, v9;
	v5 =	vor.u32 v4, v5  }
0x4c: {  	vm1 =	vlt.u32 v6, $0x18;
	v11 =	vor.u32 v3, v8;
	v5 =	vor.u32 v7, v5  }
0x4d: {  	v6 =	vor.u32 v4, v11;
	_ =	sdelay $0x2  }
0x4e: {  	v12 =	vadd.s32 $0x1, v2;
	v13 =	vshll.u32 v2, $0xB  }
0x4f: {  	v14 =	vand.u32 $0xFFFFC000, v13;
	v15 =	vshll.u32 v12, $0xB;
	v10 =	vshll.u32 v12, $0x7;
	[tilespmem:v5+s12+$0x0] =	vst.idx.msk vm0, v0  }
0x50: {  	v16 =	vand.u32 $0xFFFFC000, v15;
	v17 =	vand.u32 $0x380, v10;
	v5 =	vor.u32 v14, v3;
	[tilespmem:v6+s12+$0x0] =	vst.idx.msk vm1, v0  }
0x51: {  	vm14 =	vlt.u32 v2, $0x18;
	v5 =	vor.u32 v4, v5;
	v6 =	vor.u32 v16, v17;
	v2 =	vld [tilespmem:s17+$0xFFFFFFE0]  }
0x52: {  	vm15 =	vlt.u32 v12, $0x18;
	v5 =	vor.u32 v7, v5;
	v3 =	vor.u32 v3, v6  }
0x53: {  	v3 =	vor.u32 v4, v3;
	_ =	sdelay $0x2  }
0x54: {  	v18 =	vsub.f32 $1.000000000e+00, v2  }
0x55: {  	[tilespmem:v5+s12+$0x0] =	vst.idx.msk vm14, v2  }
0x56: {  	[tilespmem:v3+s12+$0x0] =	vst.idx.msk vm15, v18  }
0x57: {  	v2 =	vld [tilespmem:s18+$0xFFFFFFF0];
	_ =	sdelay $0x1  }
0x58: {  	s19 =	sadd.s32 $0x10, s10  }
0x59: {  	v19 =	vor.u32 s19, v1;
	v3 =	vmov s19  }
0x5a: {  	v4 =	vand.u32 $0x5F, v19;
	v3 =	vshll.u32 v3, $0x3  }
0x5b: {  	v3 =	vand.u32 $0x3C00, v3;
	v20 =	vadd.s32 $0x100000, v2;
	v21 =	vadd.s32 $0x100001, v2  }
0x5c: {  	v22 =	vshll.u32 v2, $0x7;
	vm4 =	vlt.u32 v20, $0x18;
	v5 =	vshll.u32 v20, $0xB  }
0x5d: {  	v23 =	vshll.u32 v21, $0xB;
	v24 =	vshll.u32 v21, $0x7;
	v5 =	vand.u32 $0xFFFFC000, v5  }
0x5e: {  	v8 =	vand.u32 $0xFFFFC000, v23;
	v9 =	vand.u32 $0x380, v24;
	v5 =	vor.u32 v5, v3  }
0x5f: {  	v7 =	vand.u32 $0x380, v22;
	v8 =	vor.u32 v8, v9;
	v5 =	vor.u32 v4, v5  }
0x60: {  	vm5 =	vlt.u32 v21, $0x18;
	v25 =	vor.u32 v3, v8;
	v5 =	vor.u32 v7, v5  }
0x61: {  	v6 =	vor.u32 v4, v25;
	_ =	sdelay $0x2  }
0x62: {  	v26 =	vadd.s32 $0x1, v2;
	v27 =	vshll.u32 v2, $0xB  }
0x63: {  	v28 =	vand.u32 $0xFFFFC000, v27;
	v29 =	vshll.u32 v26, $0xB;
	v30 =	vshll.u32 v26, $0x7;
	[tilespmem:v5+s12+$0x0] =	vst.idx.msk vm4, v0  }
0x64: {  	v31 =	vand.u32 $0xFFFFC000, v29;
	v32 =	vand.u32 $0x380, v30;
	v5 =	vor.u32 v28, v3;
	[tilespmem:v6+s12+$0x0] =	vst.idx.msk vm5, v0  }
0x65: {  	vm6 =	vlt.u32 v2, $0x18;
	v5 =	vor.u32 v4, v5;
	v6 =	vor.u32 v31, v32;
	v2 =	vld [tilespmem:s17+$0xFFFFFFF0]  }
0x66: {  	vm7 =	vlt.u32 v26, $0x18;
	v5 =	vor.u32 v7, v5;
	v3 =	vor.u32 v3, v6  }
0x67: {  	v3 =	vor.u32 v4, v3;
	_ =	sdelay $0x2  }
0x68: {  	v33 =	vsub.f32 $1.000000000e+00, v2  }
0x69: {  	[tilespmem:v5+s12+$0x0] =	vst.idx.msk vm6, v2  }
0x6a: {  	[tilespmem:v3+s12+$0x0] =	vst.idx.msk vm7, v33  }
0x6b: {  	v2 =	vld [tilespmem:s18+$0x0];
	_ =	sdelay $0x1  }
0x6c: {  	s21 =	sadd.s32 $0x20, s10  }
0x6d: {  	v34 =	vor.u32 s21, v1;
	v3 =	vmov s21  }
0x6e: {  	v4 =	vand.u32 $0x6F, v34;
	v3 =	vshll.u32 v3, $0x3  }
0x6f: {  	v3 =	vand.u32 $0x3C00, v3;
	v35 =	vadd.s32 $0x100000, v2;
	v36 =	vadd.s32 $0x100001, v2  }
0x70: {  	v37 =	vshll.u32 v2, $0x7;
	vm8 =	vlt.u32 v35, $0x18;
	v5 =	vshll.u32 v35, $0xB  }
0x71: {  	v38 =	vshll.u32 v36, $0xB;
	v39 =	vshll.u32 v36, $0x7;
	v5 =	vand.u32 $0xFFFFC000, v5  }
0x72: {  	v8 =	vand.u32 $0xFFFFC000, v38;
	v9 =	vand.u32 $0x380, v39;
	v5 =	vor.u32 v5, v3  }
0x73: {  	v7 =	vand.u32 $0x380, v37;
	v8 =	vor.u32 v8, v9;
	v5 =	vor.u32 v4, v5  }
0x74: {  	vm9 =	vlt.u32 v36, $0x18;
	v40 =	vor.u32 v3, v8;
	v5 =	vor.u32 v7, v5  }
0x75: {  	v6 =	vor.u32 v4, v40;
	_ =	sdelay $0x2  }
0x76: {  	v41 =	vadd.s32 $0x1, v2;
	v42 =	vshll.u32 v2, $0xB  }
0x77: {  	v43 =	vand.u32 $0xFFFFC000, v42;
	v44 =	vshll.u32 v41, $0xB;
	v45 =	vshll.u32 v41, $0x7;
	[tilespmem:v5+s12+$0x0] =	vst.idx.msk vm8, v0  }
0x78: {  	v46 =	vand.u32 $0xFFFFC000, v44;
	v47 =	vand.u32 $0x380, v45;
	v5 =	vor.u32 v43, v3;
	[tilespmem:v6+s12+$0x0] =	vst.idx.msk vm9, v0  }
0x79: {  	vm10 =	vlt.u32 v2, $0x18;
	v5 =	vor.u32 v4, v5;
	v6 =	vor.u32 v46, v47;
	v2 =	vld [tilespmem:s17+$0x0]  }
0x7a: {  	vm11 =	vlt.u32 v41, $0x18;
	v5 =	vor.u32 v7, v5;
	v3 =	vor.u32 v3, v6  }
0x7b: {  	v3 =	vor.u32 v4, v3;
	_ =	sdelay $0x2  }
0x7c: {  	v48 =	vsub.f32 $1.000000000e+00, v2  }
0x7d: {  	[tilespmem:v5+s12+$0x0] =	vst.idx.msk vm10, v2  }
0x7e: {  	[tilespmem:v3+s12+$0x0] =	vst.idx.msk vm11, v48  }
0x7f: {  	v2 =	vld [tilespmem:s18+$0x10];
	_ =	sdelay $0x1  }
0x80: {  	s22 =	sadd.s32 $0x30, s10  }
0x81: {  	v49 =	vor.u32 s22, v1;
	v3 =	vmov s22  }
0x82: {  	v4 =	vand.u32 $0x7F, v49;
	v3 =	vshll.u32 v3, $0x3  }
0x83: {  	v3 =	vand.u32 $0x3C00, v3;
	v50 =	vadd.s32 $0x100000, v2;
	v51 =	vadd.s32 $0x100001, v2  }
0x84: {  	v52 =	vshll.u32 v2, $0x7;
	vm12 =	vlt.u32 v50, $0x18;
	v5 =	vshll.u32 v50, $0xB  }
0x85: {  	v53 =	vshll.u32 v51, $0xB;
	v54 =	vshll.u32 v51, $0x7;
	v5 =	vand.u32 $0xFFFFC000, v5  }
0x86: {  	v8 =	vand.u32 $0xFFFFC000, v53;
	v9 =	vand.u32 $0x380, v54;
	v5 =	vor.u32 v5, v3  }
0x87: {  	v7 =	vand.u32 $0x380, v52;
	v8 =	vor.u32 v8, v9;
	v5 =	vor.u32 v4, v5  }
0x88: {  	vm13 =	vlt.u32 v51, $0x18;
	v55 =	vor.u32 v3, v8;
	v5 =	vor.u32 v7, v5  }
0x89: {  	v6 =	vor.u32 v4, v55;
	_ =	sdelay $0x2  }
0x8a: {  	v56 =	vadd.s32 $0x1, v2;
	v57 =	vshll.u32 v2, $0xB  }
0x8b: {  	v58 =	vand.u32 $0xFFFFC000, v57;
	v59 =	vshll.u32 v56, $0xB;
	v60 =	vshll.u32 v56, $0x7;
	[tilespmem:v5+s12+$0x0] =	vst.idx.msk vm12, v0  }
0x8c: {  	v61 =	vand.u32 $0xFFFFC000, v59;
	v62 =	vand.u32 $0x380, v60;
	v5 =	vor.u32 v58, v3;
	[tilespmem:v6+s12+$0x0] =	vst.idx.msk vm13, v0  }
0x8d: {  	vm14 =	vlt.u32 v2, $0x18;
	v2 =	vor.u32 v61, v62;
	v5 =	vor.u32 v4, v5;
	v63 =	vld [tilespmem:s17+$0x10]  }
0x8e: {  	vm15 =	vlt.u32 v56, $0x18;
	v2 =	vor.u32 v3, v2;
	v5 =	vor.u32 v7, v5  }
0x8f: {  	p0 =	sne.s32 s10, $0x7C0;
	v2 =	vor.u32 v4, v2  }
.Ltmp2:
0x90: {  	_ = 	snop;
	(pc) =	sbr.rel @p0 .LBB2_6-.Ltmp2, $4  }
0x91: {  	_ = 	snop  }
0x92: {  	v3 =	vsub.f32 $1.000000000e+00, v63  }
0x93: {  	[tilespmem:v5+s12+$0x0] =	vst.idx.msk vm14, v63  }
0x94: {  	s10 =	sadd.s32 $0x40, s10;
	s18 =	sadd.s32 $0x40, s18;
	s17 =	sadd.s32 $0x40, s17;
	[tilespmem:v2+s12+$0x0] =	vst.idx.msk vm15, v3  }
0x95: {  	[hbm4b:s5+s13] =	stream.strided.scatter [tilespmem:s12], [sflag:$0x2], $0xC000, s14, s13, $0x38;
	[tilespmem:$0x19000] =	vst v63  }
0x96: {  	s10 =	simm.s32 $0x0;
	s17 =	simm.s32 $0x820;
	s18 =	simm.s32 $0x20  }
.LBB2_8:
0x97: {  	v2 =	vld [tilespmem:s18+$0xFFFFFFE0];
	_ =	sdelay $0x2  }
0x98: {  	v3 =	vmov s10;
	v4 =	vor.u32 s10, v1  }
0x99: {  	v3 =	vshll.u32 v3, $0x3;
	v4 =	vand.u32 $0x4F, v4  }
0x9a: {  	v3 =	vand.u32 $0x3C00, v3;
	v5 =	vadd.s32 $0x100000, v2;
	v6 =	vadd.s32 $0x100001, v2  }
0x9b: {  	v7 =	vshll.u32 v2, $0x7;
	vm0 =	vlt.u32 v5, $0x18;
	v5 =	vshll.u32 v5, $0xB  }
0x9c: {  	v8 =	vshll.u32 v6, $0xB;
	v9 =	vshll.u32 v6, $0x7;
	v5 =	vand.u32 $0xFFFFC000, v5  }
0x9d: {  	v8 =	vand.u32 $0xFFFFC000, v8;
	v9 =	vand.u32 $0x380, v9;
	v5 =	vor.u32 v5, v3  }
0x9e: {  	v7 =	vand.u32 $0x380, v7;
	v8 =	vor.u32 v8, v9;
	v5 =	vor.u32 v4, v5  }
0x9f: {  	vm1 =	vlt.u32 v6, $0x18;
	v59 =	vor.u32 v3, v8;
	v5 =	vor.u32 v7, v5  }
0xa0: {  	v6 =	vor.u32 v4, v59;
	_ =	sdelay $0x1  }
0xa1: {  	v60 =	vadd.s32 $0xFFFFFFE8, v2  }
0xa2: {  	v2 =	vadd.s32 $0xFFFFFFE9, v2;
	v61 =	vshll.u32 v60, $0xB  }
0xa3: {  	v63 =	vshll.u32 v2, $0xB;
	v10 =	vshll.u32 v2, $0x7;
	v62 =	vand.u32 $0xFFFFC000, v61;
	[tilespmem:v5+s15+$0x0] =	vst.idx.msk vm0, v0  }
0xa4: {  	v12 =	vand.u32 $0xFFFFC000, v63;
	v13 =	vand.u32 $0x380, v10;
	v5 =	vor.u32 v62, v3;
	[tilespmem:v6+s15+$0x0] =	vst.idx.msk vm1, v0  }
0xa5: {  	vm14 =	vlt.u32 v60, $0x18;
	v5 =	vor.u32 v4, v5;
	v6 =	vor.u32 v12, v13;
	v14 =	vld [tilespmem:s17+$0xFFFFFFE0]  }
0xa6: {  	vm15 =	vlt.u32 v2, $0x18;
	v2 =	vor.u32 v7, v5;
	v3 =	vor.u32 v3, v6  }
0xa7: {  	v3 =	vor.u32 v4, v3;
	_ =	sdelay $0x2  }
0xa8: {  	v15 =	vsub.f32 $1.000000000e+00, v14  }
0xa9: {  	[tilespmem:v2+s15+$0x0] =	vst.idx.msk vm14, v14  }
0xaa: {  	[tilespmem:v3+s15+$0x0] =	vst.idx.msk vm15, v15  }
0xab: {  	v2 =	vld [tilespmem:s18+$0xFFFFFFF0];
	_ =	sdelay $0x1  }
0xac: {  	s19 =	sadd.s32 $0x10, s10  }
0xad: {  	v16 =	vor.u32 s19, v1;
	v3 =	vmov s19  }
0xae: {  	v4 =	vand.u32 $0x5F, v16;
	v3 =	vshll.u32 v3, $0x3  }
0xaf: {  	v3 =	vand.u32 $0x3C00, v3;
	v17 =	vadd.s32 $0x100000, v2;
	v18 =	vadd.s32 $0x100001, v2  }
0xb0: {  	v19 =	vshll.u32 v2, $0x7;
	vm4 =	vlt.u32 v17, $0x18;
	v5 =	vshll.u32 v17, $0xB  }
0xb1: {  	v20 =	vshll.u32 v18, $0xB;
	v21 =	vshll.u32 v18, $0x7;
	v5 =	vand.u32 $0xFFFFC000, v5  }
0xb2: {  	v8 =	vand.u32 $0xFFFFC000, v20;
	v9 =	vand.u32 $0x380, v21;
	v5 =	vor.u32 v5, v3  }
0xb3: {  	v7 =	vand.u32 $0x380, v19;
	v8 =	vor.u32 v8, v9;
	v5 =	vor.u32 v4, v5  }
0xb4: {  	vm5 =	vlt.u32 v18, $0x18;
	v22 =	vor.u32 v3, v8;
	v5 =	vor.u32 v7, v5  }
0xb5: {  	v6 =	vor.u32 v4, v22;
	_ =	sdelay $0x1  }
0xb6: {  	v23 =	vadd.s32 $0xFFFFFFE8, v2  }
0xb7: {  	v2 =	vadd.s32 $0xFFFFFFE9, v2;
	v24 =	vshll.u32 v23, $0xB  }
0xb8: {  	v26 =	vshll.u32 v2, $0xB;
	v27 =	vshll.u32 v2, $0x7;
	v25 =	vand.u32 $0xFFFFC000, v24;
	[tilespmem:v5+s15+$0x0] =	vst.idx.msk vm4, v0  }
0xb9: {  	v28 =	vand.u32 $0xFFFFC000, v26;
	v29 =	vand.u32 $0x380, v27;
	v5 =	vor.u32 v25, v3;
	[tilespmem:v6+s15+$0x0] =	vst.idx.msk vm5, v0  }
0xba: {  	vm6 =	vlt.u32 v23, $0x18;
	v5 =	vor.u32 v4, v5;
	v6 =	vor.u32 v28, v29;
	v30 =	vld [tilespmem:s17+$0xFFFFFFF0]  }
0xbb: {  	vm7 =	vlt.u32 v2, $0x18;
	v2 =	vor.u32 v7, v5;
	v3 =	vor.u32 v3, v6  }
0xbc: {  	v3 =	vor.u32 v4, v3;
	_ =	sdelay $0x2  }
0xbd: {  	v31 =	vsub.f32 $1.000000000e+00, v30  }
0xbe: {  	[tilespmem:v2+s15+$0x0] =	vst.idx.msk vm6, v30  }
0xbf: {  	[tilespmem:v3+s15+$0x0] =	vst.idx.msk vm7, v31  }
0xc0: {  	v2 =	vld [tilespmem:s18+$0x0];
	_ =	sdelay $0x1  }
0xc1: {  	s21 =	sadd.s32 $0x20, s10  }
0xc2: {  	v32 =	vor.u32 s21, v1;
	v3 =	vmov s21  }
0xc3: {  	v4 =	vand.u32 $0x6F, v32;
	v3 =	vshll.u32 v3, $0x3  }
0xc4: {  	v3 =	vand.u32 $0x3C00, v3;
	v33 =	vadd.s32 $0x100000, v2;
	v34 =	vadd.s32 $0x100001, v2  }
0xc5: {  	v35 =	vshll.u32 v2, $0x7;
	vm8 =	vlt.u32 v33, $0x18;
	v5 =	vshll.u32 v33, $0xB  }
0xc6: {  	v36 =	vshll.u32 v34, $0xB;
	v37 =	vshll.u32 v34, $0x7;
	v5 =	vand.u32 $0xFFFFC000, v5  }
0xc7: {  	v8 =	vand.u32 $0xFFFFC000, v36;
	v9 =	vand.u32 $0x380, v37;
	v5 =	vor.u32 v5, v3  }
0xc8: {  	v7 =	vand.u32 $0x380, v35;
	v8 =	vor.u32 v8, v9;
	v5 =	vor.u32 v4, v5  }
0xc9: {  	vm9 =	vlt.u32 v34, $0x18;
	v38 =	vor.u32 v3, v8;
	v5 =	vor.u32 v7, v5  }
0xca: {  	v6 =	vor.u32 v4, v38;
	_ =	sdelay $0x1  }
0xcb: {  	v39 =	vadd.s32 $0xFFFFFFE8, v2  }
0xcc: {  	v2 =	vadd.s32 $0xFFFFFFE9, v2;
	v40 =	vshll.u32 v39, $0xB  }
0xcd: {  	v42 =	vshll.u32 v2, $0xB;
	v43 =	vshll.u32 v2, $0x7;
	v41 =	vand.u32 $0xFFFFC000, v40;
	[tilespmem:v5+s15+$0x0] =	vst.idx.msk vm8, v0  }
0xce: {  	v44 =	vand.u32 $0xFFFFC000, v42;
	v45 =	vand.u32 $0x380, v43;
	v5 =	vor.u32 v41, v3;
	[tilespmem:v6+s15+$0x0] =	vst.idx.msk vm9, v0  }
0xcf: {  	vm10 =	vlt.u32 v39, $0x18;
	v5 =	vor.u32 v4, v5;
	v6 =	vor.u32 v44, v45;
	v46 =	vld [tilespmem:s17+$0x0]  }
0xd0: {  	vm11 =	vlt.u32 v2, $0x18;
	v2 =	vor.u32 v7, v5;
	v3 =	vor.u32 v3, v6  }
0xd1: {  	v3 =	vor.u32 v4, v3;
	_ =	sdelay $0x2  }
0xd2: {  	v47 =	vsub.f32 $1.000000000e+00, v46  }
0xd3: {  	[tilespmem:v2+s15+$0x0] =	vst.idx.msk vm10, v46  }
0xd4: {  	[tilespmem:v3+s15+$0x0] =	vst.idx.msk vm11, v47  }
0xd5: {  	v2 =	vld [tilespmem:s18+$0x10];
	_ =	sdelay $0x1  }
0xd6: {  	s22 =	sadd.s32 $0x30, s10  }
0xd7: {  	v48 =	vor.u32 s22, v1;
	v3 =	vmov s22  }
0xd8: {  	v4 =	vand.u32 $0x7F, v48;
	v3 =	vshll.u32 v3, $0x3  }
0xd9: {  	v3 =	vand.u32 $0x3C00, v3;
	v49 =	vadd.s32 $0x100000, v2;
	v50 =	vadd.s32 $0x100001, v2  }
0xda: {  	v51 =	vshll.u32 v2, $0x7;
	vm12 =	vlt.u32 v49, $0x18;
	v5 =	vshll.u32 v49, $0xB  }
0xdb: {  	v52 =	vshll.u32 v50, $0xB;
	v53 =	vshll.u32 v50, $0x7;
	v5 =	vand.u32 $0xFFFFC000, v5  }
0xdc: {  	v8 =	vand.u32 $0xFFFFC000, v52;
	v9 =	vand.u32 $0x380, v53;
	v5 =	vor.u32 v5, v3  }
0xdd: {  	v7 =	vand.u32 $0x380, v51;
	v8 =	vor.u32 v8, v9;
	v5 =	vor.u32 v4, v5  }
0xde: {  	vm13 =	vlt.u32 v50, $0x18;
	v54 =	vor.u32 v3, v8;
	v5 =	vor.u32 v7, v5  }
0xdf: {  	v6 =	vor.u32 v4, v54;
	_ =	sdelay $0x1  }
0xe0: {  	v55 =	vadd.s32 $0xFFFFFFE8, v2  }
0xe1: {  	v2 =	vadd.s32 $0xFFFFFFE9, v2;
	v56 =	vshll.u32 v55, $0xB  }
0xe2: {  	v58 =	vshll.u32 v2, $0xB;
	v59 =	vshll.u32 v2, $0x7;
	v57 =	vand.u32 $0xFFFFC000, v56;
	[tilespmem:v5+s15+$0x0] =	vst.idx.msk vm12, v0  }
0xe3: {  	v60 =	vand.u32 $0xFFFFC000, v58;
	v61 =	vand.u32 $0x380, v59;
	v5 =	vor.u32 v57, v3;
	[tilespmem:v6+s15+$0x0] =	vst.idx.msk vm13, v0  }
0xe4: {  	vm14 =	vlt.u32 v55, $0x18;
	v6 =	vor.u32 v60, v61;
	v5 =	vor.u32 v4, v5;
	v62 =	vld [tilespmem:s17+$0x10]  }
0xe5: {  	vm15 =	vlt.u32 v2, $0x18;
	v2 =	vor.u32 v7, v5;
	v3 =	vor.u32 v3, v6  }
0xe6: {  	p0 =	sne.s32 s10, $0x7C0;
	v3 =	vor.u32 v4, v3  }
.Ltmp3:
0xe7: {  	_ = 	snop;
	(pc) =	sbr.rel @p0 .LBB2_8-.Ltmp3, $4  }
0xe8: {  	_ = 	snop  }
0xe9: {  	v63 =	vsub.f32 $1.000000000e+00, v62  }
0xea: {  	[tilespmem:v2+s15+$0x0] =	vst.idx.msk vm14, v62  }
0xeb: {  	s10 =	sadd.s32 $0x40, s10;
	s18 =	sadd.s32 $0x40, s18;
	s17 =	sadd.s32 $0x40, s17;
	[tilespmem:v3+s15+$0x0] =	vst.idx.msk vm15, v63  }
0xec: {  	[hbm4b:s6+s13] =	stream.strided.scatter [tilespmem:s15], [sflag:$0x2], $0xC000, s14, s13, $0x38;
	[tilespmem:$0x19000] =	vst v63  }
0xed: {  	s10 =	simm.s32 $0x0  }
.LBB2_10:
0xee: {  	s17 =	smul.u32 $0x30, s10  }
0xef: {  	_ =	swait.ge [sflag:s16], $0xC000  }
0xf0: {  	s19 =	simm.s32 $0x820;
	[sflag:s16] =	ssyncset.done $0x0;
	s18 =	sadd.s32 $0x30, s17  }
0xf1: {  	s20 =	simm.s32 $0x20;
	s21 =	simm.s32 $0x0;
	[sflag:s16] =	ssyncadd.s32 $0xFFFF4000;
	v2 =	vmov s17;
	v3 =	vmov s18  }
.LBB2_11:
0xf2: {  	v4 =	vld [tilespmem:s20+$0xFFFFFFE0];
	_ =	sdelay $0x1  }
0xf3: {  	v5 =	vmov s21  }
0xf4: {  	v7 =	vor.u32 s21, v1;
	v5 =	vshll.u32 v5, $0x3  }
0xf5: {  	v7 =	vand.u32 $0x4F, v7;
	v5 =	vand.u32 $0x3C00, v5  }
0xf6: {  	v6 =	vadd.s32 $0x1, v4;
	v8 =	vsub.s32 v4, v2;
	v10 =	vshll.u32 v4, $0x7  }
0xf7: {  	v9 =	vsub.s32 v6, v2;
	vm0 =	vlt.u32 v8, $0x18;
	v8 =	vshll.u32 v8, $0xB  }
0xf8: {  	vm1 =	vlt.u32 v9, $0x18;
	v8 =	vand.u32 $0xFFFFC000, v8;
	v9 =	vshll.u32 v9, $0xB  }
0xf9: {  	v10 =	vand.u32 $0x380, v10;
	v8 =	vor.u32 v8, v5;
	v9 =	vand.u32 $0xFFFFC000, v9  }
0xfa: {  	v11 =	vshll.u32 v6, $0x7;
	v8 =	vor.u32 v7, v8;
	v9 =	vor.u32 v9, v5  }
0xfb: {  	v11 =	vand.u32 $0x380, v11;
	v8 =	vor.u32 v10, v8;
	v9 =	vor.u32 v7, v9  }
0xfc: {  	v9 =	vor.u32 v11, v9;
	_ =	sdelay $0x1  }
0xfd: {  	v4 =	vsub.s32 v4, v3  }
0xfe: {  	v6 =	vsub.s32 v6, v3;
	v12 =	vshll.u32 v4, $0xB  }
0xff: {  	v23 =	vand.u32 $0xFFFFC000, v12;
	v24 =	vshll.u32 v6, $0xB;
	[tilespmem:v8+s12+$0x0] =	vst.idx.msk vm0, v0  }
0x100: {  	v25 =	vand.u32 $0xFFFFC000, v24;
	v8 =	vor.u32 v23, v5;
	[tilespmem:v9+s12+$0x0] =	vst.idx.msk vm1, v0  }
0x101: {  	vm14 =	vlt.u32 v4, $0x18;
	v5 =	vor.u32 v25, v5;
	v8 =	vor.u32 v7, v8;
	v4 =	vld [tilespmem:s19+$0xFFFFFFE0]  }
0x102: {  	vm15 =	vlt.u32 v6, $0x18;
	v5 =	vor.u32 v7, v5;
	v26 =	vor.u32 v10, v8  }
0x103: {  	v5 =	vor.u32 v11, v5;
	_ =	sdelay $0x2  }
0x104: {  	v27 =	vsub.f32 $1.000000000e+00, v4  }
0x105: {  	[tilespmem:v26+s12+$0x0] =	vst.idx.msk vm14, v4  }
0x106: {  	[tilespmem:v5+s12+$0x0] =	vst.idx.msk vm15, v27  }
0x107: {  	v4 =	vld [tilespmem:s20+$0xFFFFFFF0]  }
0x108: {  	s22 =	sadd.s32 $0x10, s21  }
0x109: {  	v5 =	vmov s22  }
0x10a: {  	v29 =	vor.u32 s22, v1;
	v5 =	vshll.u32 v5, $0x3  }
0x10b: {  	v7 =	vand.u32 $0x5F, v29;
	v5 =	vand.u32 $0x3C00, v5  }
0x10c: {  	v28 =	vadd.s32 $0x1, v4;
	v30 =	vsub.s32 v4, v2;
	v32 =	vshll.u32 v4, $0x7  }
0x10d: {  	v31 =	vsub.s32 v28, v2;
	vm4 =	vlt.u32 v30, $0x18;
	v8 =	vshll.u32 v30, $0xB  }
0x10e: {  	v10 =	vand.u32 $0x380, v32;
	v8 =	vand.u32 $0xFFFFC000, v8;
	v9 =	vshll.u32 v31, $0xB  }
0x10f: {  	v33 =	vshll.u32 v28, $0x7;
	v8 =	vor.u32 v8, v5;
	v9 =	vand.u32 $0xFFFFC000, v9  }
0x110: {  	vm5 =	vlt.u32 v31, $0x18;
	v8 =	vor.u32 v7, v8;
	v9 =	vor.u32 v9, v5  }
0x111: {  	v11 =	vand.u32 $0x380, v33;
	v8 =	vor.u32 v10, v8;
	v9 =	vor.u32 v7, v9  }
0x112: {  	v9 =	vor.u32 v11, v9;
	_ =	sdelay $0x1  }
0x113: {  	v4 =	vsub.s32 v4, v3  }
0x114: {  	v6 =	vsub.s32 v28, v3;
	v34 =	vshll.u32 v4, $0xB  }
0x115: {  	v35 =	vand.u32 $0xFFFFC000, v34;
	v36 =	vshll.u32 v6, $0xB;
	[tilespmem:v8+s12+$0x0] =	vst.idx.msk vm4, v0  }
0x116: {  	v37 =	vand.u32 $0xFFFFC000, v36;
	v8 =	vor.u32 v35, v5;
	[tilespmem:v9+s12+$0x0] =	vst.idx.msk vm5, v0  }
0x117: {  	vm6 =	vlt.u32 v4, $0x18;
	v5 =	vor.u32 v37, v5;
	v8 =	vor.u32 v7, v8;
	v4 =	vld [tilespmem:s19+$0xFFFFFFF0]  }
0x118: {  	vm7 =	vlt.u32 v6, $0x18;
	v5 =	vor.u32 v7, v5;
	v38 =	vor.u32 v10, v8  }
0x119: {  	v5 =	vor.u32 v11, v5;
	_ =	sdelay $0x2  }
0x11a: {  	v39 =	vsub.f32 $1.000000000e+00, v4  }
0x11b: {  	[tilespmem:v38+s12+$0x0] =	vst.idx.msk vm6, v4  }
0x11c: {  	[tilespmem:v5+s12+$0x0] =	vst.idx.msk vm7, v39  }
0x11d: {  	v4 =	vld [tilespmem:s20+$0x0]  }
0x11e: {  	s22 =	sadd.s32 $0x20, s21  }
0x11f: {  	v5 =	vmov s22  }
0x120: {  	v41 =	vor.u32 s22, v1;
	v5 =	vshll.u32 v5, $0x3  }
0x121: {  	v7 =	vand.u32 $0x6F, v41;
	v5 =	vand.u32 $0x3C00, v5  }
0x122: {  	v40 =	vadd.s32 $0x1, v4;
	v42 =	vsub.s32 v4, v2;
	v44 =	vshll.u32 v4, $0x7  }
0x123: {  	v43 =	vsub.s32 v40, v2;
	vm8 =	vlt.u32 v42, $0x18;
	v8 =	vshll.u32 v42, $0xB  }
0x124: {  	v10 =	vand.u32 $0x380, v44;
	v8 =	vand.u32 $0xFFFFC000, v8;
	v9 =	vshll.u32 v43, $0xB  }
0x125: {  	v45 =	vshll.u32 v40, $0x7;
	v8 =	vor.u32 v8, v5;
	v9 =	vand.u32 $0xFFFFC000, v9  }
0x126: {  	vm9 =	vlt.u32 v43, $0x18;
	v8 =	vor.u32 v7, v8;
	v9 =	vor.u32 v9, v5  }
0x127: {  	v11 =	vand.u32 $0x380, v45;
	v8 =	vor.u32 v10, v8;
	v9 =	vor.u32 v7, v9  }
0x128: {  	v9 =	vor.u32 v11, v9;
	_ =	sdelay $0x1  }
0x129: {  	v4 =	vsub.s32 v4, v3  }
0x12a: {  	v6 =	vsub.s32 v40, v3;
	v46 =	vshll.u32 v4, $0xB  }
0x12b: {  	v47 =	vand.u32 $0xFFFFC000, v46;
	v48 =	vshll.u32 v6, $0xB;
	[tilespmem:v8+s12+$0x0] =	vst.idx.msk vm8, v0  }
0x12c: {  	v49 =	vand.u32 $0xFFFFC000, v48;
	v8 =	vor.u32 v47, v5;
	[tilespmem:v9+s12+$0x0] =	vst.idx.msk vm9, v0  }
0x12d: {  	vm10 =	vlt.u32 v4, $0x18;
	v5 =	vor.u32 v49, v5;
	v8 =	vor.u32 v7, v8;
	v4 =	vld [tilespmem:s19+$0x0]  }
0x12e: {  	vm11 =	vlt.u32 v6, $0x18;
	v5 =	vor.u32 v7, v5;
	v50 =	vor.u32 v10, v8  }
0x12f: {  	v5 =	vor.u32 v11, v5;
	_ =	sdelay $0x2  }
0x130: {  	v51 =	vsub.f32 $1.000000000e+00, v4  }
0x131: {  	[tilespmem:v50+s12+$0x0] =	vst.idx.msk vm10, v4  }
0x132: {  	[tilespmem:v5+s12+$0x0] =	vst.idx.msk vm11, v51  }
0x133: {  	v4 =	vld [tilespmem:s20+$0x10]  }
0x134: {  	s22 =	sadd.s32 $0x30, s21  }
0x135: {  	v5 =	vmov s22  }
0x136: {  	v53 =	vor.u32 s22, v1;
	v5 =	vshll.u32 v5, $0x3  }
0x137: {  	v7 =	vand.u32 $0x7F, v53;
	v5 =	vand.u32 $0x3C00, v5  }
0x138: {  	v52 =	vadd.s32 $0x1, v4;
	v54 =	vsub.s32 v4, v2;
	v56 =	vshll.u32 v4, $0x7  }
0x139: {  	v55 =	vsub.s32 v52, v2;
	vm12 =	vlt.u32 v54, $0x18;
	v8 =	vshll.u32 v54, $0xB  }
0x13a: {  	v10 =	vand.u32 $0x380, v56;
	v8 =	vand.u32 $0xFFFFC000, v8;
	v9 =	vshll.u32 v55, $0xB  }
0x13b: {  	v57 =	vshll.u32 v52, $0x7;
	v8 =	vor.u32 v8, v5;
	v9 =	vand.u32 $0xFFFFC000, v9  }
0x13c: {  	vm13 =	vlt.u32 v55, $0x18;
	v8 =	vor.u32 v7, v8;
	v9 =	vor.u32 v9, v5  }
0x13d: {  	v11 =	vand.u32 $0x380, v57;
	v8 =	vor.u32 v10, v8;
	v9 =	vor.u32 v7, v9  }
0x13e: {  	v9 =	vor.u32 v11, v9;
	_ =	sdelay $0x1  }
0x13f: {  	v4 =	vsub.s32 v4, v3  }
0x140: {  	v6 =	vsub.s32 v52, v3;
	v58 =	vshll.u32 v4, $0xB  }
0x141: {  	v59 =	vand.u32 $0xFFFFC000, v58;
	v60 =	vshll.u32 v6, $0xB;
	[tilespmem:v8+s12+$0x0] =	vst.idx.msk vm12, v0  }
0x142: {  	v61 =	vand.u32 $0xFFFFC000, v60;
	v8 =	vor.u32 v59, v5;
	[tilespmem:v9+s12+$0x0] =	vst.idx.msk vm13, v0  }
0x143: {  	vm14 =	vlt.u32 v4, $0x18;
	v4 =	vor.u32 v61, v5;
	v8 =	vor.u32 v7, v8;
	v5 =	vld [tilespmem:s19+$0x10]  }
0x144: {  	vm15 =	vlt.u32 v6, $0x18;
	v4 =	vor.u32 v7, v4;
	v62 =	vor.u32 v10, v8  }
0x145: {  	p0 =	sne.s32 s21, $0x7C0;
	v4 =	vor.u32 v11, v4  }
.Ltmp4:
0x146: {  	_ = 	snop;
	(pc) =	sbr.rel @p0 .LBB2_11-.Ltmp4, $4  }
0x147: {  	_ = 	snop  }
0x148: {  	v63 =	vsub.f32 $1.000000000e+00, v5  }
0x149: {  	[tilespmem:v62+s12+$0x0] =	vst.idx.msk vm14, v5  }
0x14a: {  	s21 =	sadd.s32 $0x40, s21;
	s20 =	sadd.s32 $0x40, s20;
	s19 =	sadd.s32 $0x40, s19;
	[tilespmem:v4+s12+$0x0] =	vst.idx.msk vm15, v63  }
0x14b: {  	s18 =	sshll.u32 s18, $0xD  }
0x14c: {  	s18 =	sadd.s32 s18, s5  }
0x14d: {  	[hbm4b:s18+s13] =	stream.strided.scatter [tilespmem:s12], [sflag:$0x2], $0xC000, s14, s13, $0x38;
	[tilespmem:$0x19000] =	vst v63  }
0x14e: {  	s22 =	sadd.s32 $0x18, s17;
	_ =	swait.ge [sflag:s16], $0xC000  }
0x14f: {  	s19 =	simm.s32 $0x820;
	s18 =	sadd.s32 $0x48, s17;
	[sflag:s16] =	ssyncset.done $0x0  }
0x150: {  	s20 =	simm.s32 $0x20;
	v2 =	vmov s22;
	s17 =	simm.s32 $0x0;
	v3 =	vmov s18;
	[sflag:s16] =	ssyncadd.s32 $0xFFFF4000  }
.LBB2_13:
0x151: {  	v4 =	vld [tilespmem:s20+$0xFFFFFFE0];
	_ =	sdelay $0x1  }
0x152: {  	v5 =	vmov s17  }
0x153: {  	v7 =	vor.u32 s17, v1;
	v5 =	vshll.u32 v5, $0x3  }
0x154: {  	v7 =	vand.u32 $0x4F, v7;
	v5 =	vand.u32 $0x3C00, v5  }
0x155: {  	v6 =	vadd.s32 $0x1, v4;
	v8 =	vsub.s32 v4, v2;
	v10 =	vshll.u32 v4, $0x7  }
0x156: {  	v9 =	vsub.s32 v6, v2;
	vm0 =	vlt.u32 v8, $0x18;
	v8 =	vshll.u32 v8, $0xB  }
0x157: {  	vm1 =	vlt.u32 v9, $0x18;
	v8 =	vand.u32 $0xFFFFC000, v8;
	v9 =	vshll.u32 v9, $0xB  }
0x158: {  	v10 =	vand.u32 $0x380, v10;
	v8 =	vor.u32 v8, v5;
	v9 =	vand.u32 $0xFFFFC000, v9  }
0x159: {  	v11 =	vshll.u32 v6, $0x7;
	v8 =	vor.u32 v7, v8;
	v9 =	vor.u32 v9, v5  }
0x15a: {  	v11 =	vand.u32 $0x380, v11;
	v8 =	vor.u32 v10, v8;
	v9 =	vor.u32 v7, v9  }
0x15b: {  	v9 =	vor.u32 v11, v9;
	_ =	sdelay $0x1  }
0x15c: {  	v4 =	vsub.s32 v4, v3  }
0x15d: {  	v6 =	vsub.s32 v6, v3;
	v12 =	vshll.u32 v4, $0xB  }
0x15e: {  	v23 =	vand.u32 $0xFFFFC000, v12;
	v24 =	vshll.u32 v6, $0xB;
	[tilespmem:v8+s15+$0x0] =	vst.idx.msk vm0, v0  }
0x15f: {  	v25 =	vand.u32 $0xFFFFC000, v24;
	v8 =	vor.u32 v23, v5;
	[tilespmem:v9+s15+$0x0] =	vst.idx.msk vm1, v0  }
0x160: {  	vm14 =	vlt.u32 v4, $0x18;
	v5 =	vor.u32 v25, v5;
	v8 =	vor.u32 v7, v8;
	v4 =	vld [tilespmem:s19+$0xFFFFFFE0]  }
0x161: {  	vm15 =	vlt.u32 v6, $0x18;
	v5 =	vor.u32 v7, v5;
	v26 =	vor.u32 v10, v8  }
0x162: {  	v5 =	vor.u32 v11, v5;
	_ =	sdelay $0x2  }
0x163: {  	v27 =	vsub.f32 $1.000000000e+00, v4  }
0x164: {  	[tilespmem:v26+s15+$0x0] =	vst.idx.msk vm14, v4  }
0x165: {  	[tilespmem:v5+s15+$0x0] =	vst.idx.msk vm15, v27  }
0x166: {  	v4 =	vld [tilespmem:s20+$0xFFFFFFF0]  }
0x167: {  	s21 =	sadd.s32 $0x10, s17  }
0x168: {  	v5 =	vmov s21  }
0x169: {  	v29 =	vor.u32 s21, v1;
	v5 =	vshll.u32 v5, $0x3  }
0x16a: {  	v7 =	vand.u32 $0x5F, v29;
	v5 =	vand.u32 $0x3C00, v5  }
0x16b: {  	v28 =	vadd.s32 $0x1, v4;
	v30 =	vsub.s32 v4, v2;
	v32 =	vshll.u32 v4, $0x7  }
0x16c: {  	v31 =	vsub.s32 v28, v2;
	vm4 =	vlt.u32 v30, $0x18;
	v8 =	vshll.u32 v30, $0xB  }
0x16d: {  	v10 =	vand.u32 $0x380, v32;
	v8 =	vand.u32 $0xFFFFC000, v8;
	v9 =	vshll.u32 v31, $0xB  }
0x16e: {  	v33 =	vshll.u32 v28, $0x7;
	v8 =	vor.u32 v8, v5;
	v9 =	vand.u32 $0xFFFFC000, v9  }
0x16f: {  	vm5 =	vlt.u32 v31, $0x18;
	v8 =	vor.u32 v7, v8;
	v9 =	vor.u32 v9, v5  }
0x170: {  	v11 =	vand.u32 $0x380, v33;
	v8 =	vor.u32 v10, v8;
	v9 =	vor.u32 v7, v9  }
0x171: {  	v9 =	vor.u32 v11, v9;
	_ =	sdelay $0x1  }
0x172: {  	v4 =	vsub.s32 v4, v3  }
0x173: {  	v6 =	vsub.s32 v28, v3;
	v34 =	vshll.u32 v4, $0xB  }
0x174: {  	v35 =	vand.u32 $0xFFFFC000, v34;
	v36 =	vshll.u32 v6, $0xB;
	[tilespmem:v8+s15+$0x0] =	vst.idx.msk vm4, v0  }
0x175: {  	v37 =	vand.u32 $0xFFFFC000, v36;
	v8 =	vor.u32 v35, v5;
	[tilespmem:v9+s15+$0x0] =	vst.idx.msk vm5, v0  }
0x176: {  	vm6 =	vlt.u32 v4, $0x18;
	v5 =	vor.u32 v37, v5;
	v8 =	vor.u32 v7, v8;
	v4 =	vld [tilespmem:s19+$0xFFFFFFF0]  }
0x177: {  	vm7 =	vlt.u32 v6, $0x18;
	v5 =	vor.u32 v7, v5;
	v38 =	vor.u32 v10, v8  }
0x178: {  	v5 =	vor.u32 v11, v5;
	_ =	sdelay $0x2  }
0x179: {  	v39 =	vsub.f32 $1.000000000e+00, v4  }
0x17a: {  	[tilespmem:v38+s15+$0x0] =	vst.idx.msk vm6, v4  }
0x17b: {  	[tilespmem:v5+s15+$0x0] =	vst.idx.msk vm7, v39  }
0x17c: {  	v4 =	vld [tilespmem:s20+$0x0]  }
0x17d: {  	s22 =	sadd.s32 $0x20, s17  }
0x17e: {  	v5 =	vmov s22  }
0x17f: {  	v41 =	vor.u32 s22, v1;
	v5 =	vshll.u32 v5, $0x3  }
0x180: {  	v7 =	vand.u32 $0x6F, v41;
	v5 =	vand.u32 $0x3C00, v5  }
0x181: {  	v40 =	vadd.s32 $0x1, v4;
	v42 =	vsub.s32 v4, v2;
	v44 =	vshll.u32 v4, $0x7  }
0x182: {  	v43 =	vsub.s32 v40, v2;
	vm8 =	vlt.u32 v42, $0x18;
	v8 =	vshll.u32 v42, $0xB  }
0x183: {  	v10 =	vand.u32 $0x380, v44;
	v8 =	vand.u32 $0xFFFFC000, v8;
	v9 =	vshll.u32 v43, $0xB  }
0x184: {  	v45 =	vshll.u32 v40, $0x7;
	v8 =	vor.u32 v8, v5;
	v9 =	vand.u32 $0xFFFFC000, v9  }
0x185: {  	vm9 =	vlt.u32 v43, $0x18;
	v8 =	vor.u32 v7, v8;
	v9 =	vor.u32 v9, v5  }
0x186: {  	v11 =	vand.u32 $0x380, v45;
	v8 =	vor.u32 v10, v8;
	v9 =	vor.u32 v7, v9  }
0x187: {  	v9 =	vor.u32 v11, v9;
	_ =	sdelay $0x1  }
0x188: {  	v4 =	vsub.s32 v4, v3  }
0x189: {  	v6 =	vsub.s32 v40, v3;
	v46 =	vshll.u32 v4, $0xB  }
0x18a: {  	v47 =	vand.u32 $0xFFFFC000, v46;
	v48 =	vshll.u32 v6, $0xB;
	[tilespmem:v8+s15+$0x0] =	vst.idx.msk vm8, v0  }
0x18b: {  	v49 =	vand.u32 $0xFFFFC000, v48;
	v8 =	vor.u32 v47, v5;
	[tilespmem:v9+s15+$0x0] =	vst.idx.msk vm9, v0  }
0x18c: {  	vm10 =	vlt.u32 v4, $0x18;
	v5 =	vor.u32 v49, v5;
	v8 =	vor.u32 v7, v8;
	v4 =	vld [tilespmem:s19+$0x0]  }
0x18d: {  	vm11 =	vlt.u32 v6, $0x18;
	v5 =	vor.u32 v7, v5;
	v50 =	vor.u32 v10, v8  }
0x18e: {  	v5 =	vor.u32 v11, v5;
	_ =	sdelay $0x2  }
0x18f: {  	v51 =	vsub.f32 $1.000000000e+00, v4  }
0x190: {  	[tilespmem:v50+s15+$0x0] =	vst.idx.msk vm10, v4  }
0x191: {  	[tilespmem:v5+s15+$0x0] =	vst.idx.msk vm11, v51  }
0x192: {  	v4 =	vld [tilespmem:s20+$0x10]  }
0x193: {  	s22 =	sadd.s32 $0x30, s17  }
0x194: {  	v5 =	vmov s22  }
0x195: {  	v53 =	vor.u32 s22, v1;
	v5 =	vshll.u32 v5, $0x3  }
0x196: {  	v7 =	vand.u32 $0x7F, v53;
	v5 =	vand.u32 $0x3C00, v5  }
0x197: {  	v52 =	vadd.s32 $0x1, v4;
	v54 =	vsub.s32 v4, v2;
	v56 =	vshll.u32 v4, $0x7  }
0x198: {  	v55 =	vsub.s32 v52, v2;
	vm12 =	vlt.u32 v54, $0x18;
	v8 =	vshll.u32 v54, $0xB  }
0x199: {  	v10 =	vand.u32 $0x380, v56;
	v8 =	vand.u32 $0xFFFFC000, v8;
	v9 =	vshll.u32 v55, $0xB  }
0x19a: {  	v57 =	vshll.u32 v52, $0x7;
	v8 =	vor.u32 v8, v5;
	v9 =	vand.u32 $0xFFFFC000, v9  }
0x19b: {  	vm13 =	vlt.u32 v55, $0x18;
	v8 =	vor.u32 v7, v8;
	v9 =	vor.u32 v9, v5  }
0x19c: {  	v11 =	vand.u32 $0x380, v57;
	v8 =	vor.u32 v10, v8;
	v9 =	vor.u32 v7, v9  }
0x19d: {  	v9 =	vor.u32 v11, v9;
	_ =	sdelay $0x1  }
0x19e: {  	v4 =	vsub.s32 v4, v3  }
0x19f: {  	v6 =	vsub.s32 v52, v3;
	v58 =	vshll.u32 v4, $0xB  }
0x1a0: {  	v59 =	vand.u32 $0xFFFFC000, v58;
	v60 =	vshll.u32 v6, $0xB;
	[tilespmem:v8+s15+$0x0] =	vst.idx.msk vm12, v0  }
0x1a1: {  	v61 =	vand.u32 $0xFFFFC000, v60;
	v8 =	vor.u32 v59, v5;
	[tilespmem:v9+s15+$0x0] =	vst.idx.msk vm13, v0  }
0x1a2: {  	vm14 =	vlt.u32 v4, $0x18;
	v4 =	vor.u32 v61, v5;
	v8 =	vor.u32 v7, v8;
	v5 =	vld [tilespmem:s19+$0x10]  }
0x1a3: {  	vm15 =	vlt.u32 v6, $0x18;
	v4 =	vor.u32 v7, v4;
	v62 =	vor.u32 v10, v8  }
0x1a4: {  	p0 =	sne.s32 s17, $0x7C0;
	v4 =	vor.u32 v11, v4  }
.Ltmp5:
0x1a5: {  	_ = 	snop;
	(pc) =	sbr.rel @p0 .LBB2_13-.Ltmp5, $4  }
0x1a6: {  	_ = 	snop  }
0x1a7: {  	v63 =	vsub.f32 $1.000000000e+00, v5  }
0x1a8: {  	[tilespmem:v62+s15+$0x0] =	vst.idx.msk vm14, v5  }
0x1a9: {  	s17 =	sadd.s32 $0x40, s17;
	s20 =	sadd.s32 $0x40, s20;
	s19 =	sadd.s32 $0x40, s19;
	[tilespmem:v4+s15+$0x0] =	vst.idx.msk vm15, v63  }
0x1aa: {  	s10 =	sadd.s32 $0x1, s10  }
0x1ab: {  	p0 =	sne.s32 s10, $0xB  }
.Ltmp6:
0x1ac: {  	_ = 	snop;
	(pc) =	sbr.rel @p0 .LBB2_10-.Ltmp6, $4  }
0x1ad: {  	_ = 	snop  }
0x1ae: {  	s17 =	sshll.u32 s18, $0xD  }
0x1af: {  	s17 =	sadd.s32 s17, s5  }
0x1b0: {  	[hbm4b:s17+s13] =	stream.strided.scatter [tilespmem:s15], [sflag:$0x2], $0xC000, s14, s13, $0x38;
	[tilespmem:$0x19000] =	vst v63  }
0x1b1: {  	_ =	swait.ge [sflag:s16], $0xC000  }
0x1b2: {  	s10 =	simm.s32 $0x0;
	[sflag:s16] =	ssyncset.done $0x0  }
0x1b3: {  	s17 =	simm.s32 $0x820;
	s18 =	simm.s32 $0x20;
	[sflag:s16] =	ssyncadd.s32 $0xFFFF4000  }
.LBB2_16:
0x1b4: {  	v2 =	vld [tilespmem:s18+$0xFFFFFFE0];
	_ =	sdelay $0x2  }
0x1b5: {  	v3 =	vmov s10;
	v4 =	vor.u32 s10, v1  }
0x1b6: {  	v3 =	vshll.u32 v3, $0x3;
	v4 =	vand.u32 $0x4F, v4  }
0x1b7: {  	v3 =	vand.u32 $0x3C00, v3;
	v5 =	vadd.s32 $0xFFFFFDF0, v2;
	v6 =	vadd.s32 $0xFFFFFDF1, v2  }
0x1b8: {  	v7 =	vshll.u32 v2, $0x7;
	vm0 =	vlt.u32 v5, $0x18;
	v5 =	vshll.u32 v5, $0xB  }
0x1b9: {  	v8 =	vshll.u32 v6, $0xB;
	v9 =	vshll.u32 v6, $0x7;
	v5 =	vand.u32 $0xFFFFC000, v5  }
0x1ba: {  	v8 =	vand.u32 $0xFFFFC000, v8;
	v9 =	vand.u32 $0x380, v9;
	v5 =	vor.u32 v5, v3  }
0x1bb: {  	v7 =	vand.u32 $0x380, v7;
	v8 =	vor.u32 v8, v9;
	v5 =	vor.u32 v4, v5  }
0x1bc: {  	vm1 =	vlt.u32 v6, $0x18;
	v59 =	vor.u32 v3, v8;
	v5 =	vor.u32 v7, v5  }
0x1bd: {  	v6 =	vor.u32 v4, v59;
	_ =	sdelay $0x1  }
0x1be: {  	v60 =	vadd.s32 $0xFFFFFDC0, v2  }
0x1bf: {  	v2 =	vadd.s32 $0xFFFFFDC1, v2;
	v61 =	vshll.u32 v60, $0xB  }
0x1c0: {  	v63 =	vshll.u32 v2, $0xB;
	v10 =	vshll.u32 v2, $0x7;
	v62 =	vand.u32 $0xFFFFC000, v61;
	[tilespmem:v5+s12+$0x0] =	vst.idx.msk vm0, v0  }
0x1c1: {  	v12 =	vand.u32 $0xFFFFC000, v63;
	v13 =	vand.u32 $0x380, v10;
	v5 =	vor.u32 v62, v3;
	[tilespmem:v6+s12+$0x0] =	vst.idx.msk vm1, v0  }
0x1c2: {  	vm14 =	vlt.u32 v60, $0x18;
	v5 =	vor.u32 v4, v5;
	v6 =	vor.u32 v12, v13;
	v14 =	vld [tilespmem:s17+$0xFFFFFFE0]  }
0x1c3: {  	vm15 =	vlt.u32 v2, $0x18;
	v2 =	vor.u32 v7, v5;
	v3 =	vor.u32 v3, v6  }
0x1c4: {  	v3 =	vor.u32 v4, v3;
	_ =	sdelay $0x2  }
0x1c5: {  	v15 =	vsub.f32 $1.000000000e+00, v14  }
0x1c6: {  	[tilespmem:v2+s12+$0x0] =	vst.idx.msk vm14, v14  }
0x1c7: {  	[tilespmem:v3+s12+$0x0] =	vst.idx.msk vm15, v15  }
0x1c8: {  	v2 =	vld [tilespmem:s18+$0xFFFFFFF0];
	_ =	sdelay $0x1  }
0x1c9: {  	s19 =	sadd.s32 $0x10, s10  }
0x1ca: {  	v16 =	vor.u32 s19, v1;
	v3 =	vmov s19  }
0x1cb: {  	v4 =	vand.u32 $0x5F, v16;
	v3 =	vshll.u32 v3, $0x3  }
0x1cc: {  	v3 =	vand.u32 $0x3C00, v3;
	v17 =	vadd.s32 $0xFFFFFDF0, v2;
	v18 =	vadd.s32 $0xFFFFFDF1, v2  }
0x1cd: {  	v19 =	vshll.u32 v2, $0x7;
	vm4 =	vlt.u32 v17, $0x18;
	v5 =	vshll.u32 v17, $0xB  }
0x1ce: {  	v20 =	vshll.u32 v18, $0xB;
	v21 =	vshll.u32 v18, $0x7;
	v5 =	vand.u32 $0xFFFFC000, v5  }
0x1cf: {  	v8 =	vand.u32 $0xFFFFC000, v20;
	v9 =	vand.u32 $0x380, v21;
	v5 =	vor.u32 v5, v3  }
0x1d0: {  	v7 =	vand.u32 $0x380, v19;
	v8 =	vor.u32 v8, v9;
	v5 =	vor.u32 v4, v5  }
0x1d1: {  	vm5 =	vlt.u32 v18, $0x18;
	v22 =	vor.u32 v3, v8;
	v5 =	vor.u32 v7, v5  }
0x1d2: {  	v6 =	vor.u32 v4, v22;
	_ =	sdelay $0x1  }
0x1d3: {  	v23 =	vadd.s32 $0xFFFFFDC0, v2  }
0x1d4: {  	v2 =	vadd.s32 $0xFFFFFDC1, v2;
	v24 =	vshll.u32 v23, $0xB  }
0x1d5: {  	v26 =	vshll.u32 v2, $0xB;
	v27 =	vshll.u32 v2, $0x7;
	v25 =	vand.u32 $0xFFFFC000, v24;
	[tilespmem:v5+s12+$0x0] =	vst.idx.msk vm4, v0  }
0x1d6: {  	v28 =	vand.u32 $0xFFFFC000, v26;
	v29 =	vand.u32 $0x380, v27;
	v5 =	vor.u32 v25, v3;
	[tilespmem:v6+s12+$0x0] =	vst.idx.msk vm5, v0  }
0x1d7: {  	vm6 =	vlt.u32 v23, $0x18;
	v5 =	vor.u32 v4, v5;
	v6 =	vor.u32 v28, v29;
	v30 =	vld [tilespmem:s17+$0xFFFFFFF0]  }
0x1d8: {  	vm7 =	vlt.u32 v2, $0x18;
	v2 =	vor.u32 v7, v5;
	v3 =	vor.u32 v3, v6  }
0x1d9: {  	v3 =	vor.u32 v4, v3;
	_ =	sdelay $0x2  }
0x1da: {  	v31 =	vsub.f32 $1.000000000e+00, v30  }
0x1db: {  	[tilespmem:v2+s12+$0x0] =	vst.idx.msk vm6, v30  }
0x1dc: {  	[tilespmem:v3+s12+$0x0] =	vst.idx.msk vm7, v31  }
0x1dd: {  	v2 =	vld [tilespmem:s18+$0x0];
	_ =	sdelay $0x1  }
0x1de: {  	s21 =	sadd.s32 $0x20, s10  }
0x1df: {  	v32 =	vor.u32 s21, v1;
	v3 =	vmov s21  }
0x1e0: {  	v4 =	vand.u32 $0x6F, v32;
	v3 =	vshll.u32 v3, $0x3  }
0x1e1: {  	v3 =	vand.u32 $0x3C00, v3;
	v33 =	vadd.s32 $0xFFFFFDF0, v2;
	v34 =	vadd.s32 $0xFFFFFDF1, v2  }
0x1e2: {  	v35 =	vshll.u32 v2, $0x7;
	vm8 =	vlt.u32 v33, $0x18;
	v5 =	vshll.u32 v33, $0xB  }
0x1e3: {  	v36 =	vshll.u32 v34, $0xB;
	v37 =	vshll.u32 v34, $0x7;
	v5 =	vand.u32 $0xFFFFC000, v5  }
0x1e4: {  	v8 =	vand.u32 $0xFFFFC000, v36;
	v9 =	vand.u32 $0x380, v37;
	v5 =	vor.u32 v5, v3  }
0x1e5: {  	v7 =	vand.u32 $0x380, v35;
	v8 =	vor.u32 v8, v9;
	v5 =	vor.u32 v4, v5  }
0x1e6: {  	vm9 =	vlt.u32 v34, $0x18;
	v38 =	vor.u32 v3, v8;
	v5 =	vor.u32 v7, v5  }
0x1e7: {  	v6 =	vor.u32 v4, v38;
	_ =	sdelay $0x1  }
0x1e8: {  	v39 =	vadd.s32 $0xFFFFFDC0, v2  }
0x1e9: {  	v2 =	vadd.s32 $0xFFFFFDC1, v2;
	v40 =	vshll.u32 v39, $0xB  }
0x1ea: {  	v42 =	vshll.u32 v2, $0xB;
	v43 =	vshll.u32 v2, $0x7;
	v41 =	vand.u32 $0xFFFFC000, v40;
	[tilespmem:v5+s12+$0x0] =	vst.idx.msk vm8, v0  }
0x1eb: {  	v44 =	vand.u32 $0xFFFFC000, v42;
	v45 =	vand.u32 $0x380, v43;
	v5 =	vor.u32 v41, v3;
	[tilespmem:v6+s12+$0x0] =	vst.idx.msk vm9, v0  }
0x1ec: {  	vm10 =	vlt.u32 v39, $0x18;
	v5 =	vor.u32 v4, v5;
	v6 =	vor.u32 v44, v45;
	v46 =	vld [tilespmem:s17+$0x0]  }
0x1ed: {  	vm11 =	vlt.u32 v2, $0x18;
	v2 =	vor.u32 v7, v5;
	v3 =	vor.u32 v3, v6  }
0x1ee: {  	v3 =	vor.u32 v4, v3;
	_ =	sdelay $0x2  }
0x1ef: {  	v47 =	vsub.f32 $1.000000000e+00, v46  }
0x1f0: {  	[tilespmem:v2+s12+$0x0] =	vst.idx.msk vm10, v46  }
0x1f1: {  	[tilespmem:v3+s12+$0x0] =	vst.idx.msk vm11, v47  }
0x1f2: {  	v2 =	vld [tilespmem:s18+$0x10];
	_ =	sdelay $0x1  }
0x1f3: {  	s22 =	sadd.s32 $0x30, s10  }
0x1f4: {  	v48 =	vor.u32 s22, v1;
	v3 =	vmov s22  }
0x1f5: {  	v4 =	vand.u32 $0x7F, v48;
	v3 =	vshll.u32 v3, $0x3  }
0x1f6: {  	v3 =	vand.u32 $0x3C00, v3;
	v49 =	vadd.s32 $0xFFFFFDF0, v2;
	v50 =	vadd.s32 $0xFFFFFDF1, v2  }
0x1f7: {  	v51 =	vshll.u32 v2, $0x7;
	vm12 =	vlt.u32 v49, $0x18;
	v5 =	vshll.u32 v49, $0xB  }
0x1f8: {  	v52 =	vshll.u32 v50, $0xB;
	v53 =	vshll.u32 v50, $0x7;
	v5 =	vand.u32 $0xFFFFC000, v5  }
0x1f9: {  	v8 =	vand.u32 $0xFFFFC000, v52;
	v9 =	vand.u32 $0x380, v53;
	v5 =	vor.u32 v5, v3  }
0x1fa: {  	v7 =	vand.u32 $0x380, v51;
	v8 =	vor.u32 v8, v9;
	v5 =	vor.u32 v4, v5  }
0x1fb: {  	vm13 =	vlt.u32 v50, $0x18;
	v54 =	vor.u32 v3, v8;
	v5 =	vor.u32 v7, v5  }
0x1fc: {  	v6 =	vor.u32 v4, v54;
	_ =	sdelay $0x1  }
0x1fd: {  	v55 =	vadd.s32 $0xFFFFFDC0, v2  }
0x1fe: {  	v2 =	vadd.s32 $0xFFFFFDC1, v2;
	v56 =	vshll.u32 v55, $0xB  }
0x1ff: {  	v58 =	vshll.u32 v2, $0xB;
	v59 =	vshll.u32 v2, $0x7;
	v57 =	vand.u32 $0xFFFFC000, v56;
	[tilespmem:v5+s12+$0x0] =	vst.idx.msk vm12, v0  }
0x200: {  	v60 =	vand.u32 $0xFFFFC000, v58;
	v61 =	vand.u32 $0x380, v59;
	v5 =	vor.u32 v57, v3;
	[tilespmem:v6+s12+$0x0] =	vst.idx.msk vm13, v0  }
0x201: {  	vm14 =	vlt.u32 v55, $0x18;
	v6 =	vor.u32 v60, v61;
	v5 =	vor.u32 v4, v5;
	v62 =	vld [tilespmem:s17+$0x10]  }
0x202: {  	vm15 =	vlt.u32 v2, $0x18;
	v2 =	vor.u32 v7, v5;
	v3 =	vor.u32 v3, v6  }
0x203: {  	p0 =	sne.s32 s10, $0x7C0;
	v3 =	vor.u32 v4, v3  }
.Ltmp7:
0x204: {  	_ = 	snop;
	(pc) =	sbr.rel @p0 .LBB2_16-.Ltmp7, $4  }
0x205: {  	_ = 	snop  }
0x206: {  	v63 =	vsub.f32 $1.000000000e+00, v62  }
0x207: {  	[tilespmem:v2+s12+$0x0] =	vst.idx.msk vm14, v62  }
0x208: {  	s10 =	sadd.s32 $0x40, s10;
	s18 =	sadd.s32 $0x40, s18;
	s17 =	sadd.s32 $0x40, s17;
	[tilespmem:v3+s12+$0x0] =	vst.idx.msk vm15, v63  }
0x209: {  	[hbm4b:s7+s13] =	stream.strided.scatter [tilespmem:s12], [sflag:$0x2], $0xC000, s14, s13, $0x38;
	[tilespmem:$0x19000] =	vst v63  }
0x20a: {  	_ =	swait.ge [sflag:s16], $0xC000  }
0x20b: {  	[sflag:s16] =	ssyncset.done $0x0  }
0x20c: {  	s10 =	simm.s32 $0x0;
	[sflag:s16] =	ssyncadd.s32 $0xFFFF4000  }
0x20d: {  	v2 =	vld [tilespmem:s10+$0x0];
	_ =	sdelay $0x1  }
0x20e: {  	v3 =	vmov s10  }
0x20f: {  	v4 =	vor.u32 s10, v1;
	v3 =	vshll.u32 v3, $0x3  }
0x210: {  	v4 =	vand.u32 $0x7F, v4;
	v3 =	vand.u32 $0x3C00, v3  }
0x211: {  	v5 =	vadd.s32 $0xFFFFFDD9, v2;
	v6 =	vshll.u32 v2, $0xB;
	v7 =	vshll.u32 v2, $0x7  }
0x212: {  	v8 =	vadd.s32 $0xFFFFFDD8, v2;
	v6 =	vand.u32 $0xFFFFC000, v6;
	v7 =	vand.u32 $0x380, v7  }
0x213: {  	v60 =	vshll.u32 v5, $0xB;
	v9 =	vshll.u32 v5, $0x7;
	v6 =	vor.u32 v7, v6  }
0x214: {  	v7 =	vand.u32 $0xFFFFC000, v60;
	v9 =	vand.u32 $0x380, v9;
	v6 =	vor.u32 v3, v6  }
0x215: {  	vm0 =	vlt.u32 v8, $0x18;
	v7 =	vor.u32 v7, v9;
	v6 =	vor.u32 v4, v6  }
0x216: {  	vm1 =	vlt.u32 v5, $0x18;
	v61 =	vor.u32 v3, v7;
	v5 =	vadd.s32 $0xFFEEC000, v6  }
0x217: {  	v62 =	vadd.s32 $0xFFFFFDA9, v2;
	v6 =	vor.u32 v4, v61  }
0x218: {  	v63 =	vshll.u32 v62, $0xB;
	v7 =	vshll.u32 v62, $0x7  }
0x219: {  	v8 =	vand.u32 $0xFFFFC000, v63;
	v7 =	vand.u32 $0x380, v7  }
0x21a: {  	v7 =	vor.u32 v8, v7  }
0x21b: {  	v3 =	vor.u32 v3, v7;
	[tilespmem:v5+s15+$0x0] =	vst.idx.msk vm0, v0  }
0x21c: {  	s17 =	simm.s32 $0x800;
	s18 =	simm.s32 $0x10;
	v3 =	vor.u32 v4, v3;
	[tilespmem:v6+s15+$0x0] =	vst.idx.msk vm1, v0  }
.LBB2_18:
0x21d: {  	p0 =	sne.s32 s18, $0x7F0;
	v4 =	vld [tilespmem:s17+$0x0];
	s10 =	sadd.s32 $0x10, s10;
	s17 =	sadd.s32 $0x10, s17  }
0x21e: {  	vm0 =	veq.s32 v2, $0x257;
	s19 =	smov.u32 s18;
	s18 =	sadd.s32 $0x10, s18;
	_ =	sdelay $0x3  }
0x21f: {  	v5 =	vmov s19;
	v2 =	vsub.f32 $1.000000000e+00, v4;
	_ =	sdelay $0x1  }
0x220: {  	[tilespmem:v3+s15+$0x0] =	vst.idx.msk vm0, v2  }
0x221: {  	v3 =	vshll.u32 v5, $0x3;
	v2 =	vld [tilespmem:s10+$0x0];
	_ =	sdelay $0x2  }
0x222: {  	v4 =	vor.u32 s19, v1;
	v3 =	vand.u32 $0x3C00, v3  }
0x223: {  	v4 =	vand.u32 $0x7F, v4  }
0x224: {  	v5 =	vadd.s32 $0xFFFFFDD9, v2;
	v6 =	vshll.u32 v2, $0xB;
	v7 =	vshll.u32 v2, $0x7  }
0x225: {  	v8 =	vadd.s32 $0xFFFFFDD8, v2;
	v6 =	vand.u32 $0xFFFFC000, v6;
	v7 =	vand.u32 $0x380, v7  }
0x226: {  	v9 =	vshll.u32 v5, $0x7;
	v6 =	vor.u32 v7, v6;
	v7 =	vshll.u32 v5, $0xB  }
0x227: {  	v9 =	vand.u32 $0x380, v9;
	v6 =	vor.u32 v3, v6;
	v7 =	vand.u32 $0xFFFFC000, v7  }
0x228: {  	vm0 =	vlt.u32 v8, $0x18;
	v6 =	vor.u32 v4, v6;
	v7 =	vor.u32 v7, v9  }
0x229: {  	vm1 =	vlt.u32 v5, $0x18;
	v5 =	vadd.s32 $0xFFEEC000, v6;
	v6 =	vor.u32 v3, v7  }
0x22a: {  	v7 =	vadd.s32 $0xFFFFFDA9, v2;
	v6 =	vor.u32 v4, v6  }
.Ltmp8:
0x22b: {  	v8 =	vshll.u32 v7, $0xB;
	v7 =	vshll.u32 v7, $0x7;
	(pc) =	sbr.rel @p0 .LBB2_18-.Ltmp8, $4  }
0x22c: {  	v8 =	vand.u32 $0xFFFFC000, v8;
	v7 =	vand.u32 $0x380, v7  }
0x22d: {  	v7 =	vor.u32 v8, v7  }
0x22e: {  	v3 =	vor.u32 v3, v7;
	[tilespmem:v5+s15+$0x0] =	vst.idx.msk vm0, v0  }
0x22f: {  	v3 =	vor.u32 v4, v3;
	[tilespmem:v6+s15+$0x0] =	vst.idx.msk vm1, v0  }
0x230: {  	v4 =	vld [tilespmem:s17+$0x0]  }
0x231: {  	vm0 =	veq.s32 v2, $0x257;
	_ =	sdelay $0x3  }
0x232: {  	v2 =	vsub.f32 $1.000000000e+00, v4;
	_ =	sdelay $0x1  }
0x233: {  	[tilespmem:v3+s15+$0x0] =	vst.idx.msk vm0, v2  }
0x234: {  	[hbm4b:s8+s2] =	stream.linear.scatter [tilespmem:s15], [sflag:$0x2], $0x80, $0x38;
	[tilespmem:$0x19000] =	vst v63  }
0x235: {  	s10 =	sadd.s32 $0x80, s8;
	s20 =	simm.s32 $0xD400  }
0x236: {  	[hbm4b:s10+s2] =	stream.linear.scatter [tilespmem:s20], [sflag:$0x2], $0x80, $0x38;
	[tilespmem:$0x19000] =	vst v63  }
0x237: {  	s21 =	sadd.s32 $0x100, s8;
	s22 =	simm.s32 $0xD800  }
0x238: {  	[hbm4b:s21+s2] =	stream.linear.scatter [tilespmem:s22], [sflag:$0x2], $0x80, $0x38;
	[tilespmem:$0x19000] =	vst v63  }
0x239: {  	s17 =	sadd.s32 $0x180, s8;
	s18 =	simm.s32 $0xDC00  }
0x23a: {  	[hbm4b:s17+s2] =	stream.linear.scatter [tilespmem:s18], [sflag:$0x2], $0x80, $0x38;
	[tilespmem:$0x19000] =	vst v63  }
0x23b: {  	s19 =	sadd.s32 $0x200, s8;
	s20 =	simm.s32 $0xE000  }
0x23c: {  	[hbm4b:s19+s2] =	stream.linear.scatter [tilespmem:s20], [sflag:$0x2], $0x80, $0x38;
	[tilespmem:$0x19000] =	vst v63  }
0x23d: {  	s21 =	sadd.s32 $0x280, s8;
	s22 =	simm.s32 $0xE400  }
0x23e: {  	[hbm4b:s21+s2] =	stream.linear.scatter [tilespmem:s22], [sflag:$0x2], $0x80, $0x38;
	[tilespmem:$0x19000] =	vst v63  }
0x23f: {  	s18 =	sadd.s32 $0x300, s8;
	s19 =	simm.s32 $0xE800  }
0x240: {  	[hbm4b:s18+s2] =	stream.linear.scatter [tilespmem:s19], [sflag:$0x2], $0x80, $0x38;
	[tilespmem:$0x19000] =	vst v63  }
0x241: {  	s20 =	sadd.s32 $0x380, s8  }
0x242: {  	[hbm4b:s20+s2] =	stream.linear.scatter [tilespmem:s23], [sflag:$0x2], $0x80, $0x38;
	[tilespmem:$0x19000] =	vst v63  }
0x243: {  	s21 =	sadd.s32 $0x400, s8  }
0x244: {  	[hbm4b:s21+s2] =	stream.linear.scatter [tilespmem:s24], [sflag:$0x2], $0x80, $0x38;
	[tilespmem:$0x19000] =	vst v63  }
0x245: {  	s22 =	sadd.s32 $0x480, s8  }
0x246: {  	[hbm4b:s22+s2] =	stream.linear.scatter [tilespmem:s25], [sflag:$0x2], $0x80, $0x38;
	[tilespmem:$0x19000] =	vst v63  }
0x247: {  	s17 =	sadd.s32 $0x500, s8  }
0x248: {  	[hbm4b:s17+s2] =	stream.linear.scatter [tilespmem:s26], [sflag:$0x2], $0x80, $0x38;
	[tilespmem:$0x19000] =	vst v63  }
0x249: {  	s18 =	sadd.s32 $0x580, s8  }
0x24a: {  	[hbm4b:s18+s2] =	stream.linear.scatter [tilespmem:s28], [sflag:$0x2], $0x80, $0x38;
	[tilespmem:$0x19000] =	vst v63  }
0x24b: {  	s19 =	sadd.s32 $0x600, s8  }
0x24c: {  	[hbm4b:s19+s2] =	stream.linear.scatter [tilespmem:s29], [sflag:$0x2], $0x80, $0x38;
	[tilespmem:$0x19000] =	vst v63  }
0x24d: {  	s20 =	sadd.s32 $0x680, s8  }
0x24e: {  	[hbm4b:s20+s2] =	stream.linear.scatter [tilespmem:s30], [sflag:$0x2], $0x80, $0x38;
	[tilespmem:$0x19000] =	vst v63  }
0x24f: {  	s21 =	sadd.s32 $0x700, s8  }
0x250: {  	[hbm4b:s21+s2] =	stream.linear.scatter [tilespmem:s31], [sflag:$0x2], $0x80, $0x38;
	[tilespmem:$0x19000] =	vst v63  }
0x251: {  	s1 =	sadd.s32 $0x1, s1;
	s22 =	sadd.s32 $0x780, s8  }
0x252: {  	[hbm4b:s22+s2] =	stream.linear.scatter [tilespmem:s0], [sflag:$0x2], $0x80, $0x38;
	[tilespmem:$0x19000] =	vst v63  }
0x253: {  	p0 =	sne.s32 s1, s9;
	_ =	swait.ge [sflag:s16], $0xC000  }
.Ltmp9:
0x254: {  	[sflag:s16] =	ssyncset.done $0x0;
	(pc) =	sbr.rel @p0 .LBB2_1-.Ltmp9, $4  }
0x255: {  	[sflag:s16] =	ssyncadd.s32 $0xFFFF4000  }
0x256: {  	_ =	swait.ge [sflag:s16], $0x800  }
0x257: {  	[sflag:s16] =	ssyncset.done $0x0  }
0x258: {  	[sflag:s16] =	ssyncadd.s32 $0xFFFFF800  }
0x259: {  	_ =	sfence.sel $0x180000  }
0x25a: {  	[bflag:$0x0] =	sbarrier.arrive $0xFFFF  }
0x25b: {  	_ =	strace $0x90000047  }
0x25c: {  	s0 =	stileid.u32;
	[bflag:$0x2] =	sbarrier.arrive $0xFFFF  }
0x25d: {  	p0 =	sne.s32 s0, $0x0;
	s0 =	rddreg [dreg:$0x2]  }
0x25e: {  	s0 =	sadd.s32 @!p0 $0x100000, s0  }
0x25f: {  	[sflag:s0] =	ssyncadd.tile.s32 @!p0 $0x1;
	_ =	shalt  }
.Lfunc_end2:
_tile_overlayer_lowered:
.L_overlay_start_2:
0x260: {  	(tag) =	ssettag $0x2  }
0x261: {  	s0 =	rddreg [dreg:$0x0];
	s2 =	stileid.u32  }
0x262: {  	s1 =	rddreg [dreg:$0x1];
	p0 =	sne.s32 s2, $0x0  }
0x263: {  	s3 =	rddreg [dreg:$0x2];
	[bflag:$0x3] =	sbarrier.arrive $0xFFFF;
	s2 =	simm.s32 @!p0 $0x1C03  }
0x264: {  	[timem:s3], [sflag:s2] =	dma.local @!p0 [hbm:s0], s1  }
0x265: {  	s0 =	simm.s32 @!p0 $0x3  }
0x266: {  	_ =	swait.ge @!p0 [sflag:s0], s1  }
0x267: {  	s1 =	ssub.s32 @!p0 $0x0, s1;
	[sflag:s0] =	ssyncset.done @!p0 $0x0  }
0x268: {  	[sflag:s0] =	ssyncadd.s32 @!p0 s1  }
0x269: {  	[bflag:$0x3] =	sbarrier.arrive $0xFFFF  }
0x26a: {  	_ =	shalt  }

</sc_bundles>
